<compile_context>
chip_gen: v7x
topology: tpu7x:2x2x1
jax: 0.10.2.dev20260603
libtpu: 0.0.44.dev20260713+nightly
codegen_flags: <defaults>
</compile_context>

<pallas_src>
import functools

import jax
import jax.numpy as jnp
from jax import lax
from jax.experimental import pallas as pl
from jax.experimental.pallas import tpu as pltpu
from jax.experimental.pallas import tpu_sc as plsc

_NW = 32
_K = 128
_SLOTS = 8
_DEPTH = 4


def _embed_lookup(idx, weight, steps):
    B = _NW * steps * _K
    D = weight.shape[1]
    mesh = plsc.VectorSubcoreMesh(core_axis_name="c", subcore_axis_name="s")

    @functools.partial(
        pl.kernel,
        mesh=mesh,
        compiler_params=pltpu.CompilerParams(use_tc_tiling_on_sc=False),
        out_type=jax.ShapeDtypeStruct((B, D), jnp.float32),
        scratch_types=[
            pltpu.VMEM((steps, _K), jnp.int32),
            pltpu.VMEM((_SLOTS, _K, D), jnp.float32),
        ]
        + [pltpu.SemaphoreType.DMA] * (2 * _SLOTS),
    )
    def k(idx_hbm, w_hbm, out_hbm, idx_v, rows_v, *sems):
        gsem, wsem = sems[:_SLOTS], sems[_SLOTS:]
        wid = lax.axis_index("s") * 2 + lax.axis_index("c")
        pltpu.sync_copy(idx_hbm.at[wid], idx_v)
        base = wid * (steps * _K)

        def fire_gather(j, b):
            pltpu.async_copy(w_hbm.at[idx_v.at[j]], rows_v.at[b], gsem[b])

        for b in range(_DEPTH):
            fire_gather(b, b)

        def outer(j0, carry):
            for b in range(_SLOTS):
                j = j0 * _SLOTS + b
                pltpu.make_async_copy(
                    w_hbm.at[idx_v.at[j]], rows_v.at[b], gsem[b]
                ).wait()
                pltpu.async_copy(
                    rows_v.at[b], out_hbm.at[pl.ds(base + j * _K, _K)], wsem[b]
                )
                jn = j + _DEPTH
                bn = (b + _DEPTH) % _SLOTS

                @pl.when(jn < steps)
                def _():
                    @pl.when(jn >= _SLOTS)
                    def _():
                        pltpu.make_async_copy(
                            rows_v.at[bn],
                            out_hbm.at[pl.ds(base + (jn - _SLOTS) * _K, _K)],
                            wsem[bn],
                        ).wait()

                    fire_gather(jn, bn)

            return carry

        lax.fori_loop(0, steps // _SLOTS, outer, 0)
        for b in range(_SLOTS):
            pltpu.make_async_copy(
                rows_v.at[b], out_hbm.at[pl.ds(base, _K)], wsem[b]
            ).wait()

    return k(idx, weight)


def kernel(tokens, weight):
    S, T = tokens.shape
    D = weight.shape[1]
    B = S * T
    steps = B // (_NW * _K)
    idx = tokens.reshape(_NW, steps, _K).astype(jnp.int32)
    out = _embed_lookup(idx, weight, steps)
    return out.reshape(S, T, D)

# --- scband reference (transcript-rebuilt; emitter-appended) ---
"""Pipeline reference for scband-token-embedding-76416058130997 (READ-ONLY COPY).

The authoritative reference and input builder live on the scoring server;
editing this copy changes nothing except your own understanding.
"""

import jax, jax.numpy as jnp
import numpy as np

VOCAB_SIZE = 1000000
D_MODEL = 64

def setup_inputs(seed: int = 0) -> dict:
    key = jax.random.key(seed)
    k_tok, k_w = jax.random.split(key)
    tokens = jax.random.randint(k_tok, (4096, 200), 0, VOCAB_SIZE, dtype=jnp.int64 if jax.config.jax_enable_x64 else jnp.int32)
    weight = jax.random.normal(k_w, (VOCAB_SIZE, D_MODEL), dtype=jnp.float32) * 0.01
    return {"tokens": tokens, "weight": weight}

def reference(tokens, weight):
    # TokenEmbedding.forward: self.weight[tokens]
    return jnp.take(weight, tokens, axis=0)

if __name__ == "__main__":
    import jax
    _d = setup_inputs()
    print(jax.jit(kernel)(*tuple(_d.values())))

</pallas_src>

<mosaic_0001>
#map = affine_map<(d0, d1) -> (0, 0, 0)>
#map1 = affine_map<(d0, d1) -> (0, 0)>
module attributes {stable_mosaic.version = 14 : i64} {
  func.func @k(%arg0: i32, %arg1: i32, %arg2: memref<32x200x128xi32, #tpu.memory_space<hbm>>, %arg3: memref<1000000x64xf32, #tpu.memory_space<hbm>>, %arg4: memref<819200x64xf32, #tpu.memory_space<hbm>>, %arg5: memref<200x128xi32, #tpu.memory_space<vmem>>, %arg6: memref<8x128x64xf32, #tpu.memory_space<vmem>>, %arg7: memref<!tpu.dma_semaphore, #tpu.memory_space<semaphore_mem>>, %arg8: memref<!tpu.dma_semaphore, #tpu.memory_space<semaphore_mem>>, %arg9: memref<!tpu.dma_semaphore, #tpu.memory_space<semaphore_mem>>, %arg10: memref<!tpu.dma_semaphore, #tpu.memory_space<semaphore_mem>>, %arg11: memref<!tpu.dma_semaphore, #tpu.memory_space<semaphore_mem>>, %arg12: memref<!tpu.dma_semaphore, #tpu.memory_space<semaphore_mem>>, %arg13: memref<!tpu.dma_semaphore, #tpu.memory_space<semaphore_mem>>, %arg14: memref<!tpu.dma_semaphore, #tpu.memory_space<semaphore_mem>>, %arg15: memref<!tpu.dma_semaphore, #tpu.memory_space<semaphore_mem>>, %arg16: memref<!tpu.dma_semaphore, #tpu.memory_space<semaphore_mem>>, %arg17: memref<!tpu.dma_semaphore, #tpu.memory_space<semaphore_mem>>, %arg18: memref<!tpu.dma_semaphore, #tpu.memory_space<semaphore_mem>>, %arg19: memref<!tpu.dma_semaphore, #tpu.memory_space<semaphore_mem>>, %arg20: memref<!tpu.dma_semaphore, #tpu.memory_space<semaphore_mem>>, %arg21: memref<!tpu.dma_semaphore, #tpu.memory_space<semaphore_mem>>, %arg22: memref<!tpu.dma_semaphore, #tpu.memory_space<semaphore_mem>>) attributes {dimension_semantics = [#tpu.dimension_semantics<core_parallel>, #tpu.dimension_semantics<subcore_parallel>], iteration_bounds = array<i64: 2, 16>, scalar_prefetch = 0 : i64, scratch_operands = 18 : i64, tpu.core_type = #tpu.core_type<sc_vector_subcore>, window_params = [{transform_indices = #map}, {transform_indices = #map1}, {transform_indices = #map1}]} {
    %mul3A = arith.constant 2 : i32
    %mul3A_0 = arith.muli %arg1, %mul3A : i32
    %add3A = arith.addi %mul3A_0, %arg0 : i32
    "tpu.region"() ({
      %run_scoped3A = tpu.sem_alloc : memref<!tpu.dma_semaphore, #tpu.memory_space<semaphore_mem>>
      %dma_start3A_158 = arith.constant 0 : i32
      %dma_start3A_159 = arith.constant 0 : i32
      %dma_start3A_160 = tpu.memref_slice %arg2[%add3A, %dma_start3A_158, %dma_start3A_159] : memref<32x200x128xi32, #tpu.memory_space<hbm>> -> memref<1x200x128xi32, #tpu.memory_space<hbm>>
      %dma_start3A_161 = tpu.memref_squeeze %dma_start3A_160 : memref<1x200x128xi32, #tpu.memory_space<hbm>> -> memref<200x128xi32, #tpu.memory_space<hbm>>
      %dma_start3A_162 = arith.constant 0 : i32
      %dma_start3A_163 = arith.constant 0 : i32
      %dma_start3A_164 = tpu.memref_slice %arg2[%add3A, %dma_start3A_162, %dma_start3A_163] : memref<32x200x128xi32, #tpu.memory_space<hbm>> -> memref<1x200x128xi32, #tpu.memory_space<hbm>>
      %dma_start3A_165 = tpu.memref_squeeze %dma_start3A_164 : memref<1x200x128xi32, #tpu.memory_space<hbm>> -> memref<200x128xi32, #tpu.memory_space<hbm>>
      tpu.enqueue_dma source(%dma_start3A_165 : memref<200x128xi32, #tpu.memory_space<hbm>>) target(%arg5 : memref<200x128xi32, #tpu.memory_space<vmem>>) target_semaphore(%run_scoped3A : memref<!tpu.dma_semaphore, #tpu.memory_space<semaphore_mem>>)
      %dma_wait3A_166 = arith.constant 0 : i32
      %dma_wait3A_167 = arith.constant 0 : i32
      %dma_wait3A_168 = tpu.memref_slice %arg2[%add3A, %dma_wait3A_166, %dma_wait3A_167] : memref<32x200x128xi32, #tpu.memory_space<hbm>> -> memref<1x200x128xi32, #tpu.memory_space<hbm>>
      %dma_wait3A_169 = tpu.memref_squeeze %dma_wait3A_168 : memref<1x200x128xi32, #tpu.memory_space<hbm>> -> memref<200x128xi32, #tpu.memory_space<hbm>>
      %dma_wait3A_170 = arith.constant 0 : i32
      %dma_wait3A_171 = arith.constant 0 : i32
      %dma_wait3A_172 = tpu.memref_slice %arg2[%add3A, %dma_wait3A_170, %dma_wait3A_171] : memref<32x200x128xi32, #tpu.memory_space<hbm>> -> memref<1x200x128xi32, #tpu.memory_space<hbm>>
      %dma_wait3A_173 = tpu.memref_squeeze %dma_wait3A_172 : memref<1x200x128xi32, #tpu.memory_space<hbm>> -> memref<200x128xi32, #tpu.memory_space<hbm>>
      tpu.wait_dma2 semaphore(%run_scoped3A : memref<!tpu.dma_semaphore, #tpu.memory_space<semaphore_mem>>) src(%dma_wait3A_173 : memref<200x128xi32, #tpu.memory_space<hbm>>) dst(%arg5 : memref<200x128xi32, #tpu.memory_space<vmem>>)
      tpu.yield
    }) : () -> ()
    %mul3A_1 = arith.constant 25600 : i32
    %mul3A_2 = arith.muli %add3A, %mul3A_1 : i32
    %dma_start3A = arith.constant 0 : i32
    %dma_start3A_3 = arith.constant 0 : i32
    %dma_start3A_4 = arith.constant 0 : i32
    %dma_start3A_5 = arith.constant 0 : i32
    %dma_start3A_6 = tpu.memref_slice %arg6[%dma_start3A_3, %dma_start3A_4, %dma_start3A_5] : memref<8x128x64xf32, #tpu.memory_space<vmem>> -> memref<1x128x64xf32, #tpu.memory_space<vmem>>
    %dma_start3A_7 = tpu.memref_squeeze %dma_start3A_6 : memref<1x128x64xf32, #tpu.memory_space<vmem>> -> memref<128x64xf32, #tpu.memory_space<vmem>>
    %dma_start3A_8 = arith.constant 0 : i32
    %dma_start3A_9 = tpu.memref_slice %arg5[%dma_start3A, %dma_start3A_8] : memref<200x128xi32, #tpu.memory_space<vmem>> -> memref<1x128xi32, #tpu.memory_space<vmem>>
    %dma_start3A_10 = tpu.memref_squeeze %dma_start3A_9 : memref<1x128xi32, #tpu.memory_space<vmem>> -> memref<128xi32, #tpu.memory_space<vmem>>
    %dma_start3A_11 = arith.constant 0 : i32
    %dma_start3A_12 = arith.constant 0 : i32
    %dma_start3A_13 = tpu.memref_slice %arg3[%dma_start3A_11, %dma_start3A_12] : memref<1000000x64xf32, #tpu.memory_space<hbm>> -> memref<1000000x64xf32, #tpu.memory_space<hbm>>
    tpu.enqueue_indirect_dma source(%dma_start3A_13 : memref<1000000x64xf32, #tpu.memory_space<hbm>>) target(%dma_start3A_7 : memref<128x64xf32, #tpu.memory_space<vmem>>) offsets(%dma_start3A_10 : memref<128xi32, #tpu.memory_space<vmem>>) semaphore(%arg7 : memref<!tpu.dma_semaphore, #tpu.memory_space<semaphore_mem>>)
    %dma_start3A_14 = arith.constant 1 : i32
    %dma_start3A_15 = arith.constant 1 : i32
    %dma_start3A_16 = arith.constant 0 : i32
    %dma_start3A_17 = arith.constant 0 : i32
    %dma_start3A_18 = tpu.memref_slice %arg6[%dma_start3A_15, %dma_start3A_16, %dma_start3A_17] : memref<8x128x64xf32, #tpu.memory_space<vmem>> -> memref<1x128x64xf32, #tpu.memory_space<vmem>>
    %dma_start3A_19 = tpu.memref_squeeze %dma_start3A_18 : memref<1x128x64xf32, #tpu.memory_space<vmem>> -> memref<128x64xf32, #tpu.memory_space<vmem>>
    %dma_start3A_20 = arith.constant 0 : i32
    %dma_start3A_21 = tpu.memref_slice %arg5[%dma_start3A_14, %dma_start3A_20] : memref<200x128xi32, #tpu.memory_space<vmem>> -> memref<1x128xi32, #tpu.memory_space<vmem>>
    %dma_start3A_22 = tpu.memref_squeeze %dma_start3A_21 : memref<1x128xi32, #tpu.memory_space<vmem>> -> memref<128xi32, #tpu.memory_space<vmem>>
    %dma_start3A_23 = arith.constant 0 : i32
    %dma_start3A_24 = arith.constant 0 : i32
    %dma_start3A_25 = tpu.memref_slice %arg3[%dma_start3A_23, %dma_start3A_24] : memref<1000000x64xf32, #tpu.memory_space<hbm>> -> memref<1000000x64xf32, #tpu.memory_space<hbm>>
    tpu.enqueue_indirect_dma source(%dma_start3A_25 : memref<1000000x64xf32, #tpu.memory_space<hbm>>) target(%dma_start3A_19 : memref<128x64xf32, #tpu.memory_space<vmem>>) offsets(%dma_start3A_22 : memref<128xi32, #tpu.memory_space<vmem>>) semaphore(%arg8 : memref<!tpu.dma_semaphore, #tpu.memory_space<semaphore_mem>>)
    %dma_start3A_26 = arith.constant 2 : i32
    %dma_start3A_27 = arith.constant 2 : i32
    %dma_start3A_28 = arith.constant 0 : i32
    %dma_start3A_29 = arith.constant 0 : i32
    %dma_start3A_30 = tpu.memref_slice %arg6[%dma_start3A_27, %dma_start3A_28, %dma_start3A_29] : memref<8x128x64xf32, #tpu.memory_space<vmem>> -> memref<1x128x64xf32, #tpu.memory_space<vmem>>
    %dma_start3A_31 = tpu.memref_squeeze %dma_start3A_30 : memref<1x128x64xf32, #tpu.memory_space<vmem>> -> memref<128x64xf32, #tpu.memory_space<vmem>>
    %dma_start3A_32 = arith.constant 0 : i32
    %dma_start3A_33 = tpu.memref_slice %arg5[%dma_start3A_26, %dma_start3A_32] : memref<200x128xi32, #tpu.memory_space<vmem>> -> memref<1x128xi32, #tpu.memory_space<vmem>>
    %dma_start3A_34 = tpu.memref_squeeze %dma_start3A_33 : memref<1x128xi32, #tpu.memory_space<vmem>> -> memref<128xi32, #tpu.memory_space<vmem>>
    %dma_start3A_35 = arith.constant 0 : i32
    %dma_start3A_36 = arith.constant 0 : i32
    %dma_start3A_37 = tpu.memref_slice %arg3[%dma_start3A_35, %dma_start3A_36] : memref<1000000x64xf32, #tpu.memory_space<hbm>> -> memref<1000000x64xf32, #tpu.memory_space<hbm>>
    tpu.enqueue_indirect_dma source(%dma_start3A_37 : memref<1000000x64xf32, #tpu.memory_space<hbm>>) target(%dma_start3A_31 : memref<128x64xf32, #tpu.memory_space<vmem>>) offsets(%dma_start3A_34 : memref<128xi32, #tpu.memory_space<vmem>>) semaphore(%arg9 : memref<!tpu.dma_semaphore, #tpu.memory_space<semaphore_mem>>)
    %dma_start3A_38 = arith.constant 3 : i32
    %dma_start3A_39 = arith.constant 3 : i32
    %dma_start3A_40 = arith.constant 0 : i32
    %dma_start3A_41 = arith.constant 0 : i32
    %dma_start3A_42 = tpu.memref_slice %arg6[%dma_start3A_39, %dma_start3A_40, %dma_start3A_41] : memref<8x128x64xf32, #tpu.memory_space<vmem>> -> memref<1x128x64xf32, #tpu.memory_space<vmem>>
    %dma_start3A_43 = tpu.memref_squeeze %dma_start3A_42 : memref<1x128x64xf32, #tpu.memory_space<vmem>> -> memref<128x64xf32, #tpu.memory_space<vmem>>
    %dma_start3A_44 = arith.constant 0 : i32
    %dma_start3A_45 = tpu.memref_slice %arg5[%dma_start3A_38, %dma_start3A_44] : memref<200x128xi32, #tpu.memory_space<vmem>> -> memref<1x128xi32, #tpu.memory_space<vmem>>
    %dma_start3A_46 = tpu.memref_squeeze %dma_start3A_45 : memref<1x128xi32, #tpu.memory_space<vmem>> -> memref<128xi32, #tpu.memory_space<vmem>>
    %dma_start3A_47 = arith.constant 0 : i32
    %dma_start3A_48 = arith.constant 0 : i32
    %dma_start3A_49 = tpu.memref_slice %arg3[%dma_start3A_47, %dma_start3A_48] : memref<1000000x64xf32, #tpu.memory_space<hbm>> -> memref<1000000x64xf32, #tpu.memory_space<hbm>>
    tpu.enqueue_indirect_dma source(%dma_start3A_49 : memref<1000000x64xf32, #tpu.memory_space<hbm>>) target(%dma_start3A_43 : memref<128x64xf32, #tpu.memory_space<vmem>>) offsets(%dma_start3A_46 : memref<128xi32, #tpu.memory_space<vmem>>) semaphore(%arg10 : memref<!tpu.dma_semaphore, #tpu.memory_space<semaphore_mem>>)
    %scan3A = arith.constant 0 : i32
    %scan3A_50 = arith.constant 0 : i32
    %scan3A_51 = arith.constant 25 : i32
    %scan3A_52 = arith.addi %scan3A_50, %scan3A_51 : i32
    %scan3A_53 = arith.constant 1 : i32
    scf.for %scan3A_158 = %scan3A_50 to %scan3A_52 step %scan3A_53  : i32 {
      %mul3A_159 = arith.constant 8 : i32
      %mul3A_160 = arith.muli %scan3A_158, %mul3A_159 : i32
      %add3A_161 = arith.constant 0 : i32
      %add3A_162 = arith.addi %mul3A_160, %add3A_161 : i32
      %dma_wait3A_163 = arith.constant 0 : i32
      %dma_wait3A_164 = arith.constant 0 : i32
      %dma_wait3A_165 = arith.constant 0 : i32
      %dma_wait3A_166 = tpu.memref_slice %arg6[%dma_wait3A_163, %dma_wait3A_164, %dma_wait3A_165] : memref<8x128x64xf32, #tpu.memory_space<vmem>> -> memref<1x128x64xf32, #tpu.memory_space<vmem>>
      %dma_wait3A_167 = tpu.memref_squeeze %dma_wait3A_166 : memref<1x128x64xf32, #tpu.memory_space<vmem>> -> memref<128x64xf32, #tpu.memory_space<vmem>>
      %dma_wait3A_168 = arith.constant 0 : i32
      %dma_wait3A_169 = tpu.memref_slice %arg5[%add3A_162, %dma_wait3A_168] : memref<200x128xi32, #tpu.memory_space<vmem>> -> memref<1x128xi32, #tpu.memory_space<vmem>>
      %dma_wait3A_170 = tpu.memref_squeeze %dma_wait3A_169 : memref<1x128xi32, #tpu.memory_space<vmem>> -> memref<128xi32, #tpu.memory_space<vmem>>
      %dma_wait3A_171 = arith.constant 0 : i32
      %dma_wait3A_172 = arith.constant 0 : i32
      %dma_wait3A_173 = tpu.memref_slice %arg3[%dma_wait3A_171, %dma_wait3A_172] : memref<1000000x64xf32, #tpu.memory_space<hbm>> -> memref<1000000x64xf32, #tpu.memory_space<hbm>>
      tpu.wait_indirect_dma semaphore(%arg7 : memref<!tpu.dma_semaphore, #tpu.memory_space<semaphore_mem>>) src(%dma_wait3A_173 : memref<1000000x64xf32, #tpu.memory_space<hbm>>) dst(%dma_wait3A_167 : memref<128x64xf32, #tpu.memory_space<vmem>>)
      %mul3A_174 = arith.constant 128 : i32
      %mul3A_175 = arith.muli %add3A_162, %mul3A_174 : i32
      %add3A_176 = arith.addi %mul3A_2, %mul3A_175 : i32
      %dma_start3A_177 = arith.constant 0 : i32
      %dma_start3A_178 = arith.constant 0 : i32
      %dma_start3A_179 = arith.constant 0 : i32
      %dma_start3A_180 = tpu.memref_slice %arg6[%dma_start3A_177, %dma_start3A_178, %dma_start3A_179] : memref<8x128x64xf32, #tpu.memory_space<vmem>> -> memref<1x128x64xf32, #tpu.memory_space<vmem>>
      %dma_start3A_181 = tpu.memref_squeeze %dma_start3A_180 : memref<1x128x64xf32, #tpu.memory_space<vmem>> -> memref<128x64xf32, #tpu.memory_space<vmem>>
      %dma_start3A_182 = arith.constant 0 : i32
      %dma_start3A_183 = tpu.memref_slice %arg4[%add3A_176, %dma_start3A_182] : memref<819200x64xf32, #tpu.memory_space<hbm>> -> memref<128x64xf32, #tpu.memory_space<hbm>>
      %dma_start3A_184 = arith.constant 0 : i32
      %dma_start3A_185 = tpu.memref_slice %arg4[%add3A_176, %dma_start3A_184] : memref<819200x64xf32, #tpu.memory_space<hbm>> -> memref<128x64xf32, #tpu.memory_space<hbm>>
      %dma_start3A_186 = arith.constant 0 : i32
      %dma_start3A_187 = arith.constant 0 : i32
      %dma_start3A_188 = tpu.memref_slice %arg6[%dma_start3A_177, %dma_start3A_186, %dma_start3A_187] : memref<8x128x64xf32, #tpu.memory_space<vmem>> -> memref<1x128x64xf32, #tpu.memory_space<vmem>>
      %dma_start3A_189 = tpu.memref_squeeze %dma_start3A_188 : memref<1x128x64xf32, #tpu.memory_space<vmem>> -> memref<128x64xf32, #tpu.memory_space<vmem>>
      tpu.enqueue_dma source(%dma_start3A_189 : memref<128x64xf32, #tpu.memory_space<vmem>>) target(%dma_start3A_185 : memref<128x64xf32, #tpu.memory_space<hbm>>) target_semaphore(%arg15 : memref<!tpu.dma_semaphore, #tpu.memory_space<semaphore_mem>>)
      %add3A_190 = arith.constant 4 : i32
      %add3A_191 = arith.addi %add3A_162, %add3A_190 : i32
      %lt3A = arith.constant 200 : i32
      %lt3A_192 = arith.cmpi slt, %add3A_191, %lt3A : i32
      %convert_element_type3A = arith.extui %lt3A_192 : i1 to i32
      %cond3A = arith.constant 0 : i32
      %cond3A_193 = arith.cmpi ne, %convert_element_type3A, %cond3A : i32
      scf.if %cond3A_193 {
        %ge3A = arith.constant 8 : i32
        %ge3A_460 = arith.cmpi sge, %add3A_191, %ge3A : i32
        %convert_element_type3A_461 = arith.extui %ge3A_460 : i1 to i32
        %cond3A_462 = arith.constant 0 : i32
        %cond3A_463 = arith.cmpi ne, %convert_element_type3A_461, %cond3A_462 : i32
        scf.if %cond3A_463 {
          %sub3A = arith.constant 8 : i32
          %sub3A_475 = arith.subi %add3A_191, %sub3A : i32
          %mul3A_476 = arith.constant 128 : i32
          %mul3A_477 = arith.muli %sub3A_475, %mul3A_476 : i32
          %add3A_478 = arith.addi %mul3A_2, %mul3A_477 : i32
          %dma_wait3A_479 = arith.constant 4 : i32
          %dma_wait3A_480 = arith.constant 0 : i32
          %dma_wait3A_481 = arith.constant 0 : i32
          %dma_wait3A_482 = tpu.memref_slice %arg6[%dma_wait3A_479, %dma_wait3A_480, %dma_wait3A_481] : memref<8x128x64xf32, #tpu.memory_space<vmem>> -> memref<1x128x64xf32, #tpu.memory_space<vmem>>
          %dma_wait3A_483 = tpu.memref_squeeze %dma_wait3A_482 : memref<1x128x64xf32, #tpu.memory_space<vmem>> -> memref<128x64xf32, #tpu.memory_space<vmem>>
          %dma_wait3A_484 = arith.constant 0 : i32
          %dma_wait3A_485 = tpu.memref_slice %arg4[%add3A_478, %dma_wait3A_484] : memref<819200x64xf32, #tpu.memory_space<hbm>> -> memref<128x64xf32, #tpu.memory_space<hbm>>
          %dma_wait3A_486 = arith.constant 0 : i32
          %dma_wait3A_487 = tpu.memref_slice %arg4[%add3A_478, %dma_wait3A_486] : memref<819200x64xf32, #tpu.memory_space<hbm>> -> memref<128x64xf32, #tpu.memory_space<hbm>>
          %dma_wait3A_488 = arith.constant 0 : i32
          %dma_wait3A_489 = arith.constant 0 : i32
          %dma_wait3A_490 = tpu.memref_slice %arg6[%dma_wait3A_479, %dma_wait3A_488, %dma_wait3A_489] : memref<8x128x64xf32, #tpu.memory_space<vmem>> -> memref<1x128x64xf32, #tpu.memory_space<vmem>>
          %dma_wait3A_491 = tpu.memref_squeeze %dma_wait3A_490 : memref<1x128x64xf32, #tpu.memory_space<vmem>> -> memref<128x64xf32, #tpu.memory_space<vmem>>
          tpu.wait_dma2 semaphore(%arg19 : memref<!tpu.dma_semaphore, #tpu.memory_space<semaphore_mem>>) src(%dma_wait3A_491 : memref<128x64xf32, #tpu.memory_space<vmem>>) dst(%dma_wait3A_487 : memref<128x64xf32, #tpu.memory_space<hbm>>)
        } else {
        }
        %dma_start3A_464 = arith.constant 4 : i32
        %dma_start3A_465 = arith.constant 0 : i32
        %dma_start3A_466 = arith.constant 0 : i32
        %dma_start3A_467 = tpu.memref_slice %arg6[%dma_start3A_464, %dma_start3A_465, %dma_start3A_466] : memref<8x128x64xf32, #tpu.memory_space<vmem>> -> memref<1x128x64xf32, #tpu.memory_space<vmem>>
        %dma_start3A_468 = tpu.memref_squeeze %dma_start3A_467 : memref<1x128x64xf32, #tpu.memory_space<vmem>> -> memref<128x64xf32, #tpu.memory_space<vmem>>
        %dma_start3A_469 = arith.constant 0 : i32
        %dma_start3A_470 = tpu.memref_slice %arg5[%add3A_191, %dma_start3A_469] : memref<200x128xi32, #tpu.memory_space<vmem>> -> memref<1x128xi32, #tpu.memory_space<vmem>>
        %dma_start3A_471 = tpu.memref_squeeze %dma_start3A_470 : memref<1x128xi32, #tpu.memory_space<vmem>> -> memref<128xi32, #tpu.memory_space<vmem>>
        %dma_start3A_472 = arith.constant 0 : i32
        %dma_start3A_473 = arith.constant 0 : i32
        %dma_start3A_474 = tpu.memref_slice %arg3[%dma_start3A_472, %dma_start3A_473] : memref<1000000x64xf32, #tpu.memory_space<hbm>> -> memref<1000000x64xf32, #tpu.memory_space<hbm>>
        tpu.enqueue_indirect_dma source(%dma_start3A_474 : memref<1000000x64xf32, #tpu.memory_space<hbm>>) target(%dma_start3A_468 : memref<128x64xf32, #tpu.memory_space<vmem>>) offsets(%dma_start3A_471 : memref<128xi32, #tpu.memory_space<vmem>>) semaphore(%arg11 : memref<!tpu.dma_semaphore, #tpu.memory_space<semaphore_mem>>)
      } else {
      }
      %mul3A_194 = arith.constant 8 : i32
      %mul3A_195 = arith.muli %scan3A_158, %mul3A_194 : i32
      %add3A_196 = arith.constant 1 : i32
      %add3A_197 = arith.addi %mul3A_195, %add3A_196 : i32
      %dma_wait3A_198 = arith.constant 1 : i32
      %dma_wait3A_199 = arith.constant 0 : i32
      %dma_wait3A_200 = arith.constant 0 : i32
      %dma_wait3A_201 = tpu.memref_slice %arg6[%dma_wait3A_198, %dma_wait3A_199, %dma_wait3A_200] : memref<8x128x64xf32, #tpu.memory_space<vmem>> -> memref<1x128x64xf32, #tpu.memory_space<vmem>>
      %dma_wait3A_202 = tpu.memref_squeeze %dma_wait3A_201 : memref<1x128x64xf32, #tpu.memory_space<vmem>> -> memref<128x64xf32, #tpu.memory_space<vmem>>
      %dma_wait3A_203 = arith.constant 0 : i32
      %dma_wait3A_204 = tpu.memref_slice %arg5[%add3A_197, %dma_wait3A_203] : memref<200x128xi32, #tpu.memory_space<vmem>> -> memref<1x128xi32, #tpu.memory_space<vmem>>
      %dma_wait3A_205 = tpu.memref_squeeze %dma_wait3A_204 : memref<1x128xi32, #tpu.memory_space<vmem>> -> memref<128xi32, #tpu.memory_space<vmem>>
      %dma_wait3A_206 = arith.constant 0 : i32
      %dma_wait3A_207 = arith.constant 0 : i32
      %dma_wait3A_208 = tpu.memref_slice %arg3[%dma_wait3A_206, %dma_wait3A_207] : memref<1000000x64xf32, #tpu.memory_space<hbm>> -> memref<1000000x64xf32, #tpu.memory_space<hbm>>
      tpu.wait_indirect_dma semaphore(%arg8 : memref<!tpu.dma_semaphore, #tpu.memory_space<semaphore_mem>>) src(%dma_wait3A_208 : memref<1000000x64xf32, #tpu.memory_space<hbm>>) dst(%dma_wait3A_202 : memref<128x64xf32, #tpu.memory_space<vmem>>)
      %mul3A_209 = arith.constant 128 : i32
      %mul3A_210 = arith.muli %add3A_197, %mul3A_209 : i32
      %add3A_211 = arith.addi %mul3A_2, %mul3A_210 : i32
      %dma_start3A_212 = arith.constant 1 : i32
      %dma_start3A_213 = arith.constant 0 : i32
      %dma_start3A_214 = arith.constant 0 : i32
      %dma_start3A_215 = tpu.memref_slice %arg6[%dma_start3A_212, %dma_start3A_213, %dma_start3A_214] : memref<8x128x64xf32, #tpu.memory_space<vmem>> -> memref<1x128x64xf32, #tpu.memory_space<vmem>>
      %dma_start3A_216 = tpu.memref_squeeze %dma_start3A_215 : memref<1x128x64xf32, #tpu.memory_space<vmem>> -> memref<128x64xf32, #tpu.memory_space<vmem>>
      %dma_start3A_217 = arith.constant 0 : i32
      %dma_start3A_218 = tpu.memref_slice %arg4[%add3A_211, %dma_start3A_217] : memref<819200x64xf32, #tpu.memory_space<hbm>> -> memref<128x64xf32, #tpu.memory_space<hbm>>
      %dma_start3A_219 = arith.constant 0 : i32
      %dma_start3A_220 = tpu.memref_slice %arg4[%add3A_211, %dma_start3A_219] : memref<819200x64xf32, #tpu.memory_space<hbm>> -> memref<128x64xf32, #tpu.memory_space<hbm>>
      %dma_start3A_221 = arith.constant 0 : i32
      %dma_start3A_222 = arith.constant 0 : i32
      %dma_start3A_223 = tpu.memref_slice %arg6[%dma_start3A_212, %dma_start3A_221, %dma_start3A_222] : memref<8x128x64xf32, #tpu.memory_space<vmem>> -> memref<1x128x64xf32, #tpu.memory_space<vmem>>
      %dma_start3A_224 = tpu.memref_squeeze %dma_start3A_223 : memref<1x128x64xf32, #tpu.memory_space<vmem>> -> memref<128x64xf32, #tpu.memory_space<vmem>>
      tpu.enqueue_dma source(%dma_start3A_224 : memref<128x64xf32, #tpu.memory_space<vmem>>) target(%dma_start3A_220 : memref<128x64xf32, #tpu.memory_space<hbm>>) target_semaphore(%arg16 : memref<!tpu.dma_semaphore, #tpu.memory_space<semaphore_mem>>)
      %add3A_225 = arith.constant 4 : i32
      %add3A_226 = arith.addi %add3A_197, %add3A_225 : i32
      %lt3A_227 = arith.constant 200 : i32
      %lt3A_228 = arith.cmpi slt, %add3A_226, %lt3A_227 : i32
      %convert_element_type3A_229 = arith.extui %lt3A_228 : i1 to i32
      %cond3A_230 = arith.constant 0 : i32
      %cond3A_231 = arith.cmpi ne, %convert_element_type3A_229, %cond3A_230 : i32
      scf.if %cond3A_231 {
        %ge3A = arith.constant 8 : i32
        %ge3A_460 = arith.cmpi sge, %add3A_226, %ge3A : i32
        %convert_element_type3A_461 = arith.extui %ge3A_460 : i1 to i32
        %cond3A_462 = arith.constant 0 : i32
        %cond3A_463 = arith.cmpi ne, %convert_element_type3A_461, %cond3A_462 : i32
        scf.if %cond3A_463 {
          %sub3A = arith.constant 8 : i32
          %sub3A_475 = arith.subi %add3A_226, %sub3A : i32
          %mul3A_476 = arith.constant 128 : i32
          %mul3A_477 = arith.muli %sub3A_475, %mul3A_476 : i32
          %add3A_478 = arith.addi %mul3A_2, %mul3A_477 : i32
          %dma_wait3A_479 = arith.constant 5 : i32
          %dma_wait3A_480 = arith.constant 0 : i32
          %dma_wait3A_481 = arith.constant 0 : i32
          %dma_wait3A_482 = tpu.memref_slice %arg6[%dma_wait3A_479, %dma_wait3A_480, %dma_wait3A_481] : memref<8x128x64xf32, #tpu.memory_space<vmem>> -> memref<1x128x64xf32, #tpu.memory_space<vmem>>
          %dma_wait3A_483 = tpu.memref_squeeze %dma_wait3A_482 : memref<1x128x64xf32, #tpu.memory_space<vmem>> -> memref<128x64xf32, #tpu.memory_space<vmem>>
          %dma_wait3A_484 = arith.constant 0 : i32
          %dma_wait3A_485 = tpu.memref_slice %arg4[%add3A_478, %dma_wait3A_484] : memref<819200x64xf32, #tpu.memory_space<hbm>> -> memref<128x64xf32, #tpu.memory_space<hbm>>
          %dma_wait3A_486 = arith.constant 0 : i32
          %dma_wait3A_487 = tpu.memref_slice %arg4[%add3A_478, %dma_wait3A_486] : memref<819200x64xf32, #tpu.memory_space<hbm>> -> memref<128x64xf32, #tpu.memory_space<hbm>>
          %dma_wait3A_488 = arith.constant 0 : i32
          %dma_wait3A_489 = arith.constant 0 : i32
          %dma_wait3A_490 = tpu.memref_slice %arg6[%dma_wait3A_479, %dma_wait3A_488, %dma_wait3A_489] : memref<8x128x64xf32, #tpu.memory_space<vmem>> -> memref<1x128x64xf32, #tpu.memory_space<vmem>>
          %dma_wait3A_491 = tpu.memref_squeeze %dma_wait3A_490 : memref<1x128x64xf32, #tpu.memory_space<vmem>> -> memref<128x64xf32, #tpu.memory_space<vmem>>
          tpu.wait_dma2 semaphore(%arg20 : memref<!tpu.dma_semaphore, #tpu.memory_space<semaphore_mem>>) src(%dma_wait3A_491 : memref<128x64xf32, #tpu.memory_space<vmem>>) dst(%dma_wait3A_487 : memref<128x64xf32, #tpu.memory_space<hbm>>)
        } else {
        }
        %dma_start3A_464 = arith.constant 5 : i32
        %dma_start3A_465 = arith.constant 0 : i32
        %dma_start3A_466 = arith.constant 0 : i32
        %dma_start3A_467 = tpu.memref_slice %arg6[%dma_start3A_464, %dma_start3A_465, %dma_start3A_466] : memref<8x128x64xf32, #tpu.memory_space<vmem>> -> memref<1x128x64xf32, #tpu.memory_space<vmem>>
        %dma_start3A_468 = tpu.memref_squeeze %dma_start3A_467 : memref<1x128x64xf32, #tpu.memory_space<vmem>> -> memref<128x64xf32, #tpu.memory_space<vmem>>
        %dma_start3A_469 = arith.constant 0 : i32
        %dma_start3A_470 = tpu.memref_slice %arg5[%add3A_226, %dma_start3A_469] : memref<200x128xi32, #tpu.memory_space<vmem>> -> memref<1x128xi32, #tpu.memory_space<vmem>>
        %dma_start3A_471 = tpu.memref_squeeze %dma_start3A_470 : memref<1x128xi32, #tpu.memory_space<vmem>> -> memref<128xi32, #tpu.memory_space<vmem>>
        %dma_start3A_472 = arith.constant 0 : i32
        %dma_start3A_473 = arith.constant 0 : i32
        %dma_start3A_474 = tpu.memref_slice %arg3[%dma_start3A_472, %dma_start3A_473] : memref<1000000x64xf32, #tpu.memory_space<hbm>> -> memref<1000000x64xf32, #tpu.memory_space<hbm>>
        tpu.enqueue_indirect_dma source(%dma_start3A_474 : memref<1000000x64xf32, #tpu.memory_space<hbm>>) target(%dma_start3A_468 : memref<128x64xf32, #tpu.memory_space<vmem>>) offsets(%dma_start3A_471 : memref<128xi32, #tpu.memory_space<vmem>>) semaphore(%arg12 : memref<!tpu.dma_semaphore, #tpu.memory_space<semaphore_mem>>)
      } else {
      }
      %mul3A_232 = arith.constant 8 : i32
      %mul3A_233 = arith.muli %scan3A_158, %mul3A_232 : i32
      %add3A_234 = arith.constant 2 : i32
      %add3A_235 = arith.addi %mul3A_233, %add3A_234 : i32
      %dma_wait3A_236 = arith.constant 2 : i32
      %dma_wait3A_237 = arith.constant 0 : i32
      %dma_wait3A_238 = arith.constant 0 : i32
      %dma_wait3A_239 = tpu.memref_slice %arg6[%dma_wait3A_236, %dma_wait3A_237, %dma_wait3A_238] : memref<8x128x64xf32, #tpu.memory_space<vmem>> -> memref<1x128x64xf32, #tpu.memory_space<vmem>>
      %dma_wait3A_240 = tpu.memref_squeeze %dma_wait3A_239 : memref<1x128x64xf32, #tpu.memory_space<vmem>> -> memref<128x64xf32, #tpu.memory_space<vmem>>
      %dma_wait3A_241 = arith.constant 0 : i32
      %dma_wait3A_242 = tpu.memref_slice %arg5[%add3A_235, %dma_wait3A_241] : memref<200x128xi32, #tpu.memory_space<vmem>> -> memref<1x128xi32, #tpu.memory_space<vmem>>
      %dma_wait3A_243 = tpu.memref_squeeze %dma_wait3A_242 : memref<1x128xi32, #tpu.memory_space<vmem>> -> memref<128xi32, #tpu.memory_space<vmem>>
      %dma_wait3A_244 = arith.constant 0 : i32
      %dma_wait3A_245 = arith.constant 0 : i32
      %dma_wait3A_246 = tpu.memref_slice %arg3[%dma_wait3A_244, %dma_wait3A_245] : memref<1000000x64xf32, #tpu.memory_space<hbm>> -> memref<1000000x64xf32, #tpu.memory_space<hbm>>
      tpu.wait_indirect_dma semaphore(%arg9 : memref<!tpu.dma_semaphore, #tpu.memory_space<semaphore_mem>>) src(%dma_wait3A_246 : memref<1000000x64xf32, #tpu.memory_space<hbm>>) dst(%dma_wait3A_240 : memref<128x64xf32, #tpu.memory_space<vmem>>)
      %mul3A_247 = arith.constant 128 : i32
      %mul3A_248 = arith.muli %add3A_235, %mul3A_247 : i32
      %add3A_249 = arith.addi %mul3A_2, %mul3A_248 : i32
      %dma_start3A_250 = arith.constant 2 : i32
      %dma_start3A_251 = arith.constant 0 : i32
      %dma_start3A_252 = arith.constant 0 : i32
      %dma_start3A_253 = tpu.memref_slice %arg6[%dma_start3A_250, %dma_start3A_251, %dma_start3A_252] : memref<8x128x64xf32, #tpu.memory_space<vmem>> -> memref<1x128x64xf32, #tpu.memory_space<vmem>>
      %dma_start3A_254 = tpu.memref_squeeze %dma_start3A_253 : memref<1x128x64xf32, #tpu.memory_space<vmem>> -> memref<128x64xf32, #tpu.memory_space<vmem>>
      %dma_start3A_255 = arith.constant 0 : i32
      %dma_start3A_256 = tpu.memref_slice %arg4[%add3A_249, %dma_start3A_255] : memref<819200x64xf32, #tpu.memory_space<hbm>> -> memref<128x64xf32, #tpu.memory_space<hbm>>
      %dma_start3A_257 = arith.constant 0 : i32
      %dma_start3A_258 = tpu.memref_slice %arg4[%add3A_249, %dma_start3A_257] : memref<819200x64xf32, #tpu.memory_space<hbm>> -> memref<128x64xf32, #tpu.memory_space<hbm>>
      %dma_start3A_259 = arith.constant 0 : i32
      %dma_start3A_260 = arith.constant 0 : i32
      %dma_start3A_261 = tpu.memref_slice %arg6[%dma_start3A_250, %dma_start3A_259, %dma_start3A_260] : memref<8x128x64xf32, #tpu.memory_space<vmem>> -> memref<1x128x64xf32, #tpu.memory_space<vmem>>
      %dma_start3A_262 = tpu.memref_squeeze %dma_start3A_261 : memref<1x128x64xf32, #tpu.memory_space<vmem>> -> memref<128x64xf32, #tpu.memory_space<vmem>>
      tpu.enqueue_dma source(%dma_start3A_262 : memref<128x64xf32, #tpu.memory_space<vmem>>) target(%dma_start3A_258 : memref<128x64xf32, #tpu.memory_space<hbm>>) target_semaphore(%arg17 : memref<!tpu.dma_semaphore, #tpu.memory_space<semaphore_mem>>)
      %add3A_263 = arith.constant 4 : i32
      %add3A_264 = arith.addi %add3A_235, %add3A_263 : i32
      %lt3A_265 = arith.constant 200 : i32
      %lt3A_266 = arith.cmpi slt, %add3A_264, %lt3A_265 : i32
      %convert_element_type3A_267 = arith.extui %lt3A_266 : i1 to i32
      %cond3A_268 = arith.constant 0 : i32
      %cond3A_269 = arith.cmpi ne, %convert_element_type3A_267, %cond3A_268 : i32
      scf.if %cond3A_269 {
        %ge3A = arith.constant 8 : i32
        %ge3A_460 = arith.cmpi sge, %add3A_264, %ge3A : i32
        %convert_element_type3A_461 = arith.extui %ge3A_460 : i1 to i32
        %cond3A_462 = arith.constant 0 : i32
        %cond3A_463 = arith.cmpi ne, %convert_element_type3A_461, %cond3A_462 : i32
        scf.if %cond3A_463 {
          %sub3A = arith.constant 8 : i32
          %sub3A_475 = arith.subi %add3A_264, %sub3A : i32
          %mul3A_476 = arith.constant 128 : i32
          %mul3A_477 = arith.muli %sub3A_475, %mul3A_476 : i32
          %add3A_478 = arith.addi %mul3A_2, %mul3A_477 : i32
          %dma_wait3A_479 = arith.constant 6 : i32
          %dma_wait3A_480 = arith.constant 0 : i32
          %dma_wait3A_481 = arith.constant 0 : i32
          %dma_wait3A_482 = tpu.memref_slice %arg6[%dma_wait3A_479, %dma_wait3A_480, %dma_wait3A_481] : memref<8x128x64xf32, #tpu.memory_space<vmem>> -> memref<1x128x64xf32, #tpu.memory_space<vmem>>
          %dma_wait3A_483 = tpu.memref_squeeze %dma_wait3A_482 : memref<1x128x64xf32, #tpu.memory_space<vmem>> -> memref<128x64xf32, #tpu.memory_space<vmem>>
          %dma_wait3A_484 = arith.constant 0 : i32
          %dma_wait3A_485 = tpu.memref_slice %arg4[%add3A_478, %dma_wait3A_484] : memref<819200x64xf32, #tpu.memory_space<hbm>> -> memref<128x64xf32, #tpu.memory_space<hbm>>
          %dma_wait3A_486 = arith.constant 0 : i32
          %dma_wait3A_487 = tpu.memref_slice %arg4[%add3A_478, %dma_wait3A_486] : memref<819200x64xf32, #tpu.memory_space<hbm>> -> memref<128x64xf32, #tpu.memory_space<hbm>>
          %dma_wait3A_488 = arith.constant 0 : i32
          %dma_wait3A_489 = arith.constant 0 : i32
          %dma_wait3A_490 = tpu.memref_slice %arg6[%dma_wait3A_479, %dma_wait3A_488, %dma_wait3A_489] : memref<8x128x64xf32, #tpu.memory_space<vmem>> -> memref<1x128x64xf32, #tpu.memory_space<vmem>>
          %dma_wait3A_491 = tpu.memref_squeeze %dma_wait3A_490 : memref<1x128x64xf32, #tpu.memory_space<vmem>> -> memref<128x64xf32, #tpu.memory_space<vmem>>
          tpu.wait_dma2 semaphore(%arg21 : memref<!tpu.dma_semaphore, #tpu.memory_space<semaphore_mem>>) src(%dma_wait3A_491 : memref<128x64xf32, #tpu.memory_space<vmem>>) dst(%dma_wait3A_487 : memref<128x64xf32, #tpu.memory_space<hbm>>)
        } else {
        }
        %dma_start3A_464 = arith.constant 6 : i32
        %dma_start3A_465 = arith.constant 0 : i32
        %dma_start3A_466 = arith.constant 0 : i32
        %dma_start3A_467 = tpu.memref_slice %arg6[%dma_start3A_464, %dma_start3A_465, %dma_start3A_466] : memref<8x128x64xf32, #tpu.memory_space<vmem>> -> memref<1x128x64xf32, #tpu.memory_space<vmem>>
        %dma_start3A_468 = tpu.memref_squeeze %dma_start3A_467 : memref<1x128x64xf32, #tpu.memory_space<vmem>> -> memref<128x64xf32, #tpu.memory_space<vmem>>
        %dma_start3A_469 = arith.constant 0 : i32
        %dma_start3A_470 = tpu.memref_slice %arg5[%add3A_264, %dma_start3A_469] : memref<200x128xi32, #tpu.memory_space<vmem>> -> memref<1x128xi32, #tpu.memory_space<vmem>>
        %dma_start3A_471 = tpu.memref_squeeze %dma_start3A_470 : memref<1x128xi32, #tpu.memory_space<vmem>> -> memref<128xi32, #tpu.memory_space<vmem>>
        %dma_start3A_472 = arith.constant 0 : i32
        %dma_start3A_473 = arith.constant 0 : i32
        %dma_start3A_474 = tpu.memref_slice %arg3[%dma_start3A_472, %dma_start3A_473] : memref<1000000x64xf32, #tpu.memory_space<hbm>> -> memref<1000000x64xf32, #tpu.memory_space<hbm>>
        tpu.enqueue_indirect_dma source(%dma_start3A_474 : memref<1000000x64xf32, #tpu.memory_space<hbm>>) target(%dma_start3A_468 : memref<128x64xf32, #tpu.memory_space<vmem>>) offsets(%dma_start3A_471 : memref<128xi32, #tpu.memory_space<vmem>>) semaphore(%arg13 : memref<!tpu.dma_semaphore, #tpu.memory_space<semaphore_mem>>)
      } else {
      }
      %mul3A_270 = arith.constant 8 : i32
      %mul3A_271 = arith.muli %scan3A_158, %mul3A_270 : i32
      %add3A_272 = arith.constant 3 : i32
      %add3A_273 = arith.addi %mul3A_271, %add3A_272 : i32
      %dma_wait3A_274 = arith.constant 3 : i32
      %dma_wait3A_275 = arith.constant 0 : i32
      %dma_wait3A_276 = arith.constant 0 : i32
      %dma_wait3A_277 = tpu.memref_slice %arg6[%dma_wait3A_274, %dma_wait3A_275, %dma_wait3A_276] : memref<8x128x64xf32, #tpu.memory_space<vmem>> -> memref<1x128x64xf32, #tpu.memory_space<vmem>>
      %dma_wait3A_278 = tpu.memref_squeeze %dma_wait3A_277 : memref<1x128x64xf32, #tpu.memory_space<vmem>> -> memref<128x64xf32, #tpu.memory_space<vmem>>
      %dma_wait3A_279 = arith.constant 0 : i32
      %dma_wait3A_280 = tpu.memref_slice %arg5[%add3A_273, %dma_wait3A_279] : memref<200x128xi32, #tpu.memory_space<vmem>> -> memref<1x128xi32, #tpu.memory_space<vmem>>
      %dma_wait3A_281 = tpu.memref_squeeze %dma_wait3A_280 : memref<1x128xi32, #tpu.memory_space<vmem>> -> memref<128xi32, #tpu.memory_space<vmem>>
      %dma_wait3A_282 = arith.constant 0 : i32
      %dma_wait3A_283 = arith.constant 0 : i32
      %dma_wait3A_284 = tpu.memref_slice %arg3[%dma_wait3A_282, %dma_wait3A_283] : memref<1000000x64xf32, #tpu.memory_space<hbm>> -> memref<1000000x64xf32, #tpu.memory_space<hbm>>
      tpu.wait_indirect_dma semaphore(%arg10 : memref<!tpu.dma_semaphore, #tpu.memory_space<semaphore_mem>>) src(%dma_wait3A_284 : memref<1000000x64xf32, #tpu.memory_space<hbm>>) dst(%dma_wait3A_278 : memref<128x64xf32, #tpu.memory_space<vmem>>)
      %mul3A_285 = arith.constant 128 : i32
      %mul3A_286 = arith.muli %add3A_273, %mul3A_285 : i32
      %add3A_287 = arith.addi %mul3A_2, %mul3A_286 : i32
      %dma_start3A_288 = arith.constant 3 : i32
      %dma_start3A_289 = arith.constant 0 : i32
      %dma_start3A_290 = arith.constant 0 : i32
      %dma_start3A_291 = tpu.memref_slice %arg6[%dma_start3A_288, %dma_start3A_289, %dma_start3A_290] : memref<8x128x64xf32, #tpu.memory_space<vmem>> -> memref<1x128x64xf32, #tpu.memory_space<vmem>>
      %dma_start3A_292 = tpu.memref_squeeze %dma_start3A_291 : memref<1x128x64xf32, #tpu.memory_space<vmem>> -> memref<128x64xf32, #tpu.memory_space<vmem>>
      %dma_start3A_293 = arith.constant 0 : i32
      %dma_start3A_294 = tpu.memref_slice %arg4[%add3A_287, %dma_start3A_293] : memref<819200x64xf32, #tpu.memory_space<hbm>> -> memref<128x64xf32, #tpu.memory_space<hbm>>
      %dma_start3A_295 = arith.constant 0 : i32
      %dma_start3A_296 = tpu.memref_slice %arg4[%add3A_287, %dma_start3A_295] : memref<819200x64xf32, #tpu.memory_space<hbm>> -> memref<128x64xf32, #tpu.memory_space<hbm>>
      %dma_start3A_297 = arith.constant 0 : i32
      %dma_start3A_298 = arith.constant 0 : i32
      %dma_start3A_299 = tpu.memref_slice %arg6[%dma_start3A_288, %dma_start3A_297, %dma_start3A_298] : memref<8x128x64xf32, #tpu.memory_space<vmem>> -> memref<1x128x64xf32, #tpu.memory_space<vmem>>
      %dma_start3A_300 = tpu.memref_squeeze %dma_start3A_299 : memref<1x128x64xf32, #tpu.memory_space<vmem>> -> memref<128x64xf32, #tpu.memory_space<vmem>>
      tpu.enqueue_dma source(%dma_start3A_300 : memref<128x64xf32, #tpu.memory_space<vmem>>) target(%dma_start3A_296 : memref<128x64xf32, #tpu.memory_space<hbm>>) target_semaphore(%arg18 : memref<!tpu.dma_semaphore, #tpu.memory_space<semaphore_mem>>)
      %add3A_301 = arith.constant 4 : i32
      %add3A_302 = arith.addi %add3A_273, %add3A_301 : i32
      %lt3A_303 = arith.constant 200 : i32
      %lt3A_304 = arith.cmpi slt, %add3A_302, %lt3A_303 : i32
      %convert_element_type3A_305 = arith.extui %lt3A_304 : i1 to i32
      %cond3A_306 = arith.constant 0 : i32
      %cond3A_307 = arith.cmpi ne, %convert_element_type3A_305, %cond3A_306 : i32
      scf.if %cond3A_307 {
        %ge3A = arith.constant 8 : i32
        %ge3A_460 = arith.cmpi sge, %add3A_302, %ge3A : i32
        %convert_element_type3A_461 = arith.extui %ge3A_460 : i1 to i32
        %cond3A_462 = arith.constant 0 : i32
        %cond3A_463 = arith.cmpi ne, %convert_element_type3A_461, %cond3A_462 : i32
        scf.if %cond3A_463 {
          %sub3A = arith.constant 8 : i32
          %sub3A_475 = arith.subi %add3A_302, %sub3A : i32
          %mul3A_476 = arith.constant 128 : i32
          %mul3A_477 = arith.muli %sub3A_475, %mul3A_476 : i32
          %add3A_478 = arith.addi %mul3A_2, %mul3A_477 : i32
          %dma_wait3A_479 = arith.constant 7 : i32
          %dma_wait3A_480 = arith.constant 0 : i32
          %dma_wait3A_481 = arith.constant 0 : i32
          %dma_wait3A_482 = tpu.memref_slice %arg6[%dma_wait3A_479, %dma_wait3A_480, %dma_wait3A_481] : memref<8x128x64xf32, #tpu.memory_space<vmem>> -> memref<1x128x64xf32, #tpu.memory_space<vmem>>
          %dma_wait3A_483 = tpu.memref_squeeze %dma_wait3A_482 : memref<1x128x64xf32, #tpu.memory_space<vmem>> -> memref<128x64xf32, #tpu.memory_space<vmem>>
          %dma_wait3A_484 = arith.constant 0 : i32
          %dma_wait3A_485 = tpu.memref_slice %arg4[%add3A_478, %dma_wait3A_484] : memref<819200x64xf32, #tpu.memory_space<hbm>> -> memref<128x64xf32, #tpu.memory_space<hbm>>
          %dma_wait3A_486 = arith.constant 0 : i32
          %dma_wait3A_487 = tpu.memref_slice %arg4[%add3A_478, %dma_wait3A_486] : memref<819200x64xf32, #tpu.memory_space<hbm>> -> memref<128x64xf32, #tpu.memory_space<hbm>>
          %dma_wait3A_488 = arith.constant 0 : i32
          %dma_wait3A_489 = arith.constant 0 : i32
          %dma_wait3A_490 = tpu.memref_slice %arg6[%dma_wait3A_479, %dma_wait3A_488, %dma_wait3A_489] : memref<8x128x64xf32, #tpu.memory_space<vmem>> -> memref<1x128x64xf32, #tpu.memory_space<vmem>>
          %dma_wait3A_491 = tpu.memref_squeeze %dma_wait3A_490 : memref<1x128x64xf32, #tpu.memory_space<vmem>> -> memref<128x64xf32, #tpu.memory_space<vmem>>
          tpu.wait_dma2 semaphore(%arg22 : memref<!tpu.dma_semaphore, #tpu.memory_space<semaphore_mem>>) src(%dma_wait3A_491 : memref<128x64xf32, #tpu.memory_space<vmem>>) dst(%dma_wait3A_487 : memref<128x64xf32, #tpu.memory_space<hbm>>)
        } else {
        }
        %dma_start3A_464 = arith.constant 7 : i32
        %dma_start3A_465 = arith.constant 0 : i32
        %dma_start3A_466 = arith.constant 0 : i32
        %dma_start3A_467 = tpu.memref_slice %arg6[%dma_start3A_464, %dma_start3A_465, %dma_start3A_466] : memref<8x128x64xf32, #tpu.memory_space<vmem>> -> memref<1x128x64xf32, #tpu.memory_space<vmem>>
        %dma_start3A_468 = tpu.memref_squeeze %dma_start3A_467 : memref<1x128x64xf32, #tpu.memory_space<vmem>> -> memref<128x64xf32, #tpu.memory_space<vmem>>
        %dma_start3A_469 = arith.constant 0 : i32
        %dma_start3A_470 = tpu.memref_slice %arg5[%add3A_302, %dma_start3A_469] : memref<200x128xi32, #tpu.memory_space<vmem>> -> memref<1x128xi32, #tpu.memory_space<vmem>>
        %dma_start3A_471 = tpu.memref_squeeze %dma_start3A_470 : memref<1x128xi32, #tpu.memory_space<vmem>> -> memref<128xi32, #tpu.memory_space<vmem>>
        %dma_start3A_472 = arith.constant 0 : i32
        %dma_start3A_473 = arith.constant 0 : i32
        %dma_start3A_474 = tpu.memref_slice %arg3[%dma_start3A_472, %dma_start3A_473] : memref<1000000x64xf32, #tpu.memory_space<hbm>> -> memref<1000000x64xf32, #tpu.memory_space<hbm>>
        tpu.enqueue_indirect_dma source(%dma_start3A_474 : memref<1000000x64xf32, #tpu.memory_space<hbm>>) target(%dma_start3A_468 : memref<128x64xf32, #tpu.memory_space<vmem>>) offsets(%dma_start3A_471 : memref<128xi32, #tpu.memory_space<vmem>>) semaphore(%arg14 : memref<!tpu.dma_semaphore, #tpu.memory_space<semaphore_mem>>)
      } else {
      }
      %mul3A_308 = arith.constant 8 : i32
      %mul3A_309 = arith.muli %scan3A_158, %mul3A_308 : i32
      %add3A_310 = arith.constant 4 : i32
      %add3A_311 = arith.addi %mul3A_309, %add3A_310 : i32
      %dma_wait3A_312 = arith.constant 4 : i32
      %dma_wait3A_313 = arith.constant 0 : i32
      %dma_wait3A_314 = arith.constant 0 : i32
      %dma_wait3A_315 = tpu.memref_slice %arg6[%dma_wait3A_312, %dma_wait3A_313, %dma_wait3A_314] : memref<8x128x64xf32, #tpu.memory_space<vmem>> -> memref<1x128x64xf32, #tpu.memory_space<vmem>>
      %dma_wait3A_316 = tpu.memref_squeeze %dma_wait3A_315 : memref<1x128x64xf32, #tpu.memory_space<vmem>> -> memref<128x64xf32, #tpu.memory_space<vmem>>
      %dma_wait3A_317 = arith.constant 0 : i32
      %dma_wait3A_318 = tpu.memref_slice %arg5[%add3A_311, %dma_wait3A_317] : memref<200x128xi32, #tpu.memory_space<vmem>> -> memref<1x128xi32, #tpu.memory_space<vmem>>
      %dma_wait3A_319 = tpu.memref_squeeze %dma_wait3A_318 : memref<1x128xi32, #tpu.memory_space<vmem>> -> memref<128xi32, #tpu.memory_space<vmem>>
      %dma_wait3A_320 = arith.constant 0 : i32
      %dma_wait3A_321 = arith.constant 0 : i32
      %dma_wait3A_322 = tpu.memref_slice %arg3[%dma_wait3A_320, %dma_wait3A_321] : memref<1000000x64xf32, #tpu.memory_space<hbm>> -> memref<1000000x64xf32, #tpu.memory_space<hbm>>
      tpu.wait_indirect_dma semaphore(%arg11 : memref<!tpu.dma_semaphore, #tpu.memory_space<semaphore_mem>>) src(%dma_wait3A_322 : memref<1000000x64xf32, #tpu.memory_space<hbm>>) dst(%dma_wait3A_316 : memref<128x64xf32, #tpu.memory_space<vmem>>)
      %mul3A_323 = arith.constant 128 : i32
      %mul3A_324 = arith.muli %add3A_311, %mul3A_323 : i32
      %add3A_325 = arith.addi %mul3A_2, %mul3A_324 : i32
      %dma_start3A_326 = arith.constant 4 : i32
      %dma_start3A_327 = arith.constant 0 : i32
      %dma_start3A_328 = arith.constant 0 : i32
      %dma_start3A_329 = tpu.memref_slice %arg6[%dma_start3A_326, %dma_start3A_327, %dma_start3A_328] : memref<8x128x64xf32, #tpu.memory_space<vmem>> -> memref<1x128x64xf32, #tpu.memory_space<vmem>>
      %dma_start3A_330 = tpu.memref_squeeze %dma_start3A_329 : memref<1x128x64xf32, #tpu.memory_space<vmem>> -> memref<128x64xf32, #tpu.memory_space<vmem>>
      %dma_start3A_331 = arith.constant 0 : i32
      %dma_start3A_332 = tpu.memref_slice %arg4[%add3A_325, %dma_start3A_331] : memref<819200x64xf32, #tpu.memory_space<hbm>> -> memref<128x64xf32, #tpu.memory_space<hbm>>
      %dma_start3A_333 = arith.constant 0 : i32
      %dma_start3A_334 = tpu.memref_slice %arg4[%add3A_325, %dma_start3A_333] : memref<819200x64xf32, #tpu.memory_space<hbm>> -> memref<128x64xf32, #tpu.memory_space<hbm>>
      %dma_start3A_335 = arith.constant 0 : i32
      %dma_start3A_336 = arith.constant 0 : i32
      %dma_start3A_337 = tpu.memref_slice %arg6[%dma_start3A_326, %dma_start3A_335, %dma_start3A_336] : memref<8x128x64xf32, #tpu.memory_space<vmem>> -> memref<1x128x64xf32, #tpu.memory_space<vmem>>
      %dma_start3A_338 = tpu.memref_squeeze %dma_start3A_337 : memref<1x128x64xf32, #tpu.memory_space<vmem>> -> memref<128x64xf32, #tpu.memory_space<vmem>>
      tpu.enqueue_dma source(%dma_start3A_338 : memref<128x64xf32, #tpu.memory_space<vmem>>) target(%dma_start3A_334 : memref<128x64xf32, #tpu.memory_space<hbm>>) target_semaphore(%arg19 : memref<!tpu.dma_semaphore, #tpu.memory_space<semaphore_mem>>)
      %add3A_339 = arith.constant 4 : i32
      %add3A_340 = arith.addi %add3A_311, %add3A_339 : i32
      %lt3A_341 = arith.constant 200 : i32
      %lt3A_342 = arith.cmpi slt, %add3A_340, %lt3A_341 : i32
      %convert_element_type3A_343 = arith.extui %lt3A_342 : i1 to i32
      %cond3A_344 = arith.constant 0 : i32
      %cond3A_345 = arith.cmpi ne, %convert_element_type3A_343, %cond3A_344 : i32
      scf.if %cond3A_345 {
        %ge3A = arith.constant 8 : i32
        %ge3A_460 = arith.cmpi sge, %add3A_340, %ge3A : i32
        %convert_element_type3A_461 = arith.extui %ge3A_460 : i1 to i32
        %cond3A_462 = arith.constant 0 : i32
        %cond3A_463 = arith.cmpi ne, %convert_element_type3A_461, %cond3A_462 : i32
        scf.if %cond3A_463 {
          %sub3A = arith.constant 8 : i32
          %sub3A_475 = arith.subi %add3A_340, %sub3A : i32
          %mul3A_476 = arith.constant 128 : i32
          %mul3A_477 = arith.muli %sub3A_475, %mul3A_476 : i32
          %add3A_478 = arith.addi %mul3A_2, %mul3A_477 : i32
          %dma_wait3A_479 = arith.constant 0 : i32
          %dma_wait3A_480 = arith.constant 0 : i32
          %dma_wait3A_481 = arith.constant 0 : i32
          %dma_wait3A_482 = tpu.memref_slice %arg6[%dma_wait3A_479, %dma_wait3A_480, %dma_wait3A_481] : memref<8x128x64xf32, #tpu.memory_space<vmem>> -> memref<1x128x64xf32, #tpu.memory_space<vmem>>
          %dma_wait3A_483 = tpu.memref_squeeze %dma_wait3A_482 : memref<1x128x64xf32, #tpu.memory_space<vmem>> -> memref<128x64xf32, #tpu.memory_space<vmem>>
          %dma_wait3A_484 = arith.constant 0 : i32
          %dma_wait3A_485 = tpu.memref_slice %arg4[%add3A_478, %dma_wait3A_484] : memref<819200x64xf32, #tpu.memory_space<hbm>> -> memref<128x64xf32, #tpu.memory_space<hbm>>
          %dma_wait3A_486 = arith.constant 0 : i32
          %dma_wait3A_487 = tpu.memref_slice %arg4[%add3A_478, %dma_wait3A_486] : memref<819200x64xf32, #tpu.memory_space<hbm>> -> memref<128x64xf32, #tpu.memory_space<hbm>>
          %dma_wait3A_488 = arith.constant 0 : i32
          %dma_wait3A_489 = arith.constant 0 : i32
          %dma_wait3A_490 = tpu.memref_slice %arg6[%dma_wait3A_479, %dma_wait3A_488, %dma_wait3A_489] : memref<8x128x64xf32, #tpu.memory_space<vmem>> -> memref<1x128x64xf32, #tpu.memory_space<vmem>>
          %dma_wait3A_491 = tpu.memref_squeeze %dma_wait3A_490 : memref<1x128x64xf32, #tpu.memory_space<vmem>> -> memref<128x64xf32, #tpu.memory_space<vmem>>
          tpu.wait_dma2 semaphore(%arg15 : memref<!tpu.dma_semaphore, #tpu.memory_space<semaphore_mem>>) src(%dma_wait3A_491 : memref<128x64xf32, #tpu.memory_space<vmem>>) dst(%dma_wait3A_487 : memref<128x64xf32, #tpu.memory_space<hbm>>)
        } else {
        }
        %dma_start3A_464 = arith.constant 0 : i32
        %dma_start3A_465 = arith.constant 0 : i32
        %dma_start3A_466 = arith.constant 0 : i32
        %dma_start3A_467 = tpu.memref_slice %arg6[%dma_start3A_464, %dma_start3A_465, %dma_start3A_466] : memref<8x128x64xf32, #tpu.memory_space<vmem>> -> memref<1x128x64xf32, #tpu.memory_space<vmem>>
        %dma_start3A_468 = tpu.memref_squeeze %dma_start3A_467 : memref<1x128x64xf32, #tpu.memory_space<vmem>> -> memref<128x64xf32, #tpu.memory_space<vmem>>
        %dma_start3A_469 = arith.constant 0 : i32
        %dma_start3A_470 = tpu.memref_slice %arg5[%add3A_340, %dma_start3A_469] : memref<200x128xi32, #tpu.memory_space<vmem>> -> memref<1x128xi32, #tpu.memory_space<vmem>>
        %dma_start3A_471 = tpu.memref_squeeze %dma_start3A_470 : memref<1x128xi32, #tpu.memory_space<vmem>> -> memref<128xi32, #tpu.memory_space<vmem>>
        %dma_start3A_472 = arith.constant 0 : i32
        %dma_start3A_473 = arith.constant 0 : i32
        %dma_start3A_474 = tpu.memref_slice %arg3[%dma_start3A_472, %dma_start3A_473] : memref<1000000x64xf32, #tpu.memory_space<hbm>> -> memref<1000000x64xf32, #tpu.memory_space<hbm>>
        tpu.enqueue_indirect_dma source(%dma_start3A_474 : memref<1000000x64xf32, #tpu.memory_space<hbm>>) target(%dma_start3A_468 : memref<128x64xf32, #tpu.memory_space<vmem>>) offsets(%dma_start3A_471 : memref<128xi32, #tpu.memory_space<vmem>>) semaphore(%arg7 : memref<!tpu.dma_semaphore, #tpu.memory_space<semaphore_mem>>)
      } else {
      }
      %mul3A_346 = arith.constant 8 : i32
      %mul3A_347 = arith.muli %scan3A_158, %mul3A_346 : i32
      %add3A_348 = arith.constant 5 : i32
      %add3A_349 = arith.addi %mul3A_347, %add3A_348 : i32
      %dma_wait3A_350 = arith.constant 5 : i32
      %dma_wait3A_351 = arith.constant 0 : i32
      %dma_wait3A_352 = arith.constant 0 : i32
      %dma_wait3A_353 = tpu.memref_slice %arg6[%dma_wait3A_350, %dma_wait3A_351, %dma_wait3A_352] : memref<8x128x64xf32, #tpu.memory_space<vmem>> -> memref<1x128x64xf32, #tpu.memory_space<vmem>>
      %dma_wait3A_354 = tpu.memref_squeeze %dma_wait3A_353 : memref<1x128x64xf32, #tpu.memory_space<vmem>> -> memref<128x64xf32, #tpu.memory_space<vmem>>
      %dma_wait3A_355 = arith.constant 0 : i32
      %dma_wait3A_356 = tpu.memref_slice %arg5[%add3A_349, %dma_wait3A_355] : memref<200x128xi32, #tpu.memory_space<vmem>> -> memref<1x128xi32, #tpu.memory_space<vmem>>
      %dma_wait3A_357 = tpu.memref_squeeze %dma_wait3A_356 : memref<1x128xi32, #tpu.memory_space<vmem>> -> memref<128xi32, #tpu.memory_space<vmem>>
      %dma_wait3A_358 = arith.constant 0 : i32
      %dma_wait3A_359 = arith.constant 0 : i32
      %dma_wait3A_360 = tpu.memref_slice %arg3[%dma_wait3A_358, %dma_wait3A_359] : memref<1000000x64xf32, #tpu.memory_space<hbm>> -> memref<1000000x64xf32, #tpu.memory_space<hbm>>
      tpu.wait_indirect_dma semaphore(%arg12 : memref<!tpu.dma_semaphore, #tpu.memory_space<semaphore_mem>>) src(%dma_wait3A_360 : memref<1000000x64xf32, #tpu.memory_space<hbm>>) dst(%dma_wait3A_354 : memref<128x64xf32, #tpu.memory_space<vmem>>)
      %mul3A_361 = arith.constant 128 : i32
      %mul3A_362 = arith.muli %add3A_349, %mul3A_361 : i32
      %add3A_363 = arith.addi %mul3A_2, %mul3A_362 : i32
      %dma_start3A_364 = arith.constant 5 : i32
      %dma_start3A_365 = arith.constant 0 : i32
      %dma_start3A_366 = arith.constant 0 : i32
      %dma_start3A_367 = tpu.memref_slice %arg6[%dma_start3A_364, %dma_start3A_365, %dma_start3A_366] : memref<8x128x64xf32, #tpu.memory_space<vmem>> -> memref<1x128x64xf32, #tpu.memory_space<vmem>>
      %dma_start3A_368 = tpu.memref_squeeze %dma_start3A_367 : memref<1x128x64xf32, #tpu.memory_space<vmem>> -> memref<128x64xf32, #tpu.memory_space<vmem>>
      %dma_start3A_369 = arith.constant 0 : i32
      %dma_start3A_370 = tpu.memref_slice %arg4[%add3A_363, %dma_start3A_369] : memref<819200x64xf32, #tpu.memory_space<hbm>> -> memref<128x64xf32, #tpu.memory_space<hbm>>
      %dma_start3A_371 = arith.constant 0 : i32
      %dma_start3A_372 = tpu.memref_slice %arg4[%add3A_363, %dma_start3A_371] : memref<819200x64xf32, #tpu.memory_space<hbm>> -> memref<128x64xf32, #tpu.memory_space<hbm>>
      %dma_start3A_373 = arith.constant 0 : i32
      %dma_start3A_374 = arith.constant 0 : i32
      %dma_start3A_375 = tpu.memref_slice %arg6[%dma_start3A_364, %dma_start3A_373, %dma_start3A_374] : memref<8x128x64xf32, #tpu.memory_space<vmem>> -> memref<1x128x64xf32, #tpu.memory_space<vmem>>
      %dma_start3A_376 = tpu.memref_squeeze %dma_start3A_375 : memref<1x128x64xf32, #tpu.memory_space<vmem>> -> memref<128x64xf32, #tpu.memory_space<vmem>>
      tpu.enqueue_dma source(%dma_start3A_376 : memref<128x64xf32, #tpu.memory_space<vmem>>) target(%dma_start3A_372 : memref<128x64xf32, #tpu.memory_space<hbm>>) target_semaphore(%arg20 : memref<!tpu.dma_semaphore, #tpu.memory_space<semaphore_mem>>)
      %add3A_377 = arith.constant 4 : i32
      %add3A_378 = arith.addi %add3A_349, %add3A_377 : i32
      %lt3A_379 = arith.constant 200 : i32
      %lt3A_380 = arith.cmpi slt, %add3A_378, %lt3A_379 : i32
      %convert_element_type3A_381 = arith.extui %lt3A_380 : i1 to i32
      %cond3A_382 = arith.constant 0 : i32
      %cond3A_383 = arith.cmpi ne, %convert_element_type3A_381, %cond3A_382 : i32
      scf.if %cond3A_383 {
        %ge3A = arith.constant 8 : i32
        %ge3A_460 = arith.cmpi sge, %add3A_378, %ge3A : i32
        %convert_element_type3A_461 = arith.extui %ge3A_460 : i1 to i32
        %cond3A_462 = arith.constant 0 : i32
        %cond3A_463 = arith.cmpi ne, %convert_element_type3A_461, %cond3A_462 : i32
        scf.if %cond3A_463 {
          %sub3A = arith.constant 8 : i32
          %sub3A_475 = arith.subi %add3A_378, %sub3A : i32
          %mul3A_476 = arith.constant 128 : i32
          %mul3A_477 = arith.muli %sub3A_475, %mul3A_476 : i32
          %add3A_478 = arith.addi %mul3A_2, %mul3A_477 : i32
          %dma_wait3A_479 = arith.constant 1 : i32
          %dma_wait3A_480 = arith.constant 0 : i32
          %dma_wait3A_481 = arith.constant 0 : i32
          %dma_wait3A_482 = tpu.memref_slice %arg6[%dma_wait3A_479, %dma_wait3A_480, %dma_wait3A_481] : memref<8x128x64xf32, #tpu.memory_space<vmem>> -> memref<1x128x64xf32, #tpu.memory_space<vmem>>
          %dma_wait3A_483 = tpu.memref_squeeze %dma_wait3A_482 : memref<1x128x64xf32, #tpu.memory_space<vmem>> -> memref<128x64xf32, #tpu.memory_space<vmem>>
          %dma_wait3A_484 = arith.constant 0 : i32
          %dma_wait3A_485 = tpu.memref_slice %arg4[%add3A_478, %dma_wait3A_484] : memref<819200x64xf32, #tpu.memory_space<hbm>> -> memref<128x64xf32, #tpu.memory_space<hbm>>
          %dma_wait3A_486 = arith.constant 0 : i32
          %dma_wait3A_487 = tpu.memref_slice %arg4[%add3A_478, %dma_wait3A_486] : memref<819200x64xf32, #tpu.memory_space<hbm>> -> memref<128x64xf32, #tpu.memory_space<hbm>>
          %dma_wait3A_488 = arith.constant 0 : i32
          %dma_wait3A_489 = arith.constant 0 : i32
          %dma_wait3A_490 = tpu.memref_slice %arg6[%dma_wait3A_479, %dma_wait3A_488, %dma_wait3A_489] : memref<8x128x64xf32, #tpu.memory_space<vmem>> -> memref<1x128x64xf32, #tpu.memory_space<vmem>>
          %dma_wait3A_491 = tpu.memref_squeeze %dma_wait3A_490 : memref<1x128x64xf32, #tpu.memory_space<vmem>> -> memref<128x64xf32, #tpu.memory_space<vmem>>
          tpu.wait_dma2 semaphore(%arg16 : memref<!tpu.dma_semaphore, #tpu.memory_space<semaphore_mem>>) src(%dma_wait3A_491 : memref<128x64xf32, #tpu.memory_space<vmem>>) dst(%dma_wait3A_487 : memref<128x64xf32, #tpu.memory_space<hbm>>)
        } else {
        }
        %dma_start3A_464 = arith.constant 1 : i32
        %dma_start3A_465 = arith.constant 0 : i32
        %dma_start3A_466 = arith.constant 0 : i32
        %dma_start3A_467 = tpu.memref_slice %arg6[%dma_start3A_464, %dma_start3A_465, %dma_start3A_466] : memref<8x128x64xf32, #tpu.memory_space<vmem>> -> memref<1x128x64xf32, #tpu.memory_space<vmem>>
        %dma_start3A_468 = tpu.memref_squeeze %dma_start3A_467 : memref<1x128x64xf32, #tpu.memory_space<vmem>> -> memref<128x64xf32, #tpu.memory_space<vmem>>
        %dma_start3A_469 = arith.constant 0 : i32
        %dma_start3A_470 = tpu.memref_slice %arg5[%add3A_378, %dma_start3A_469] : memref<200x128xi32, #tpu.memory_space<vmem>> -> memref<1x128xi32, #tpu.memory_space<vmem>>
        %dma_start3A_471 = tpu.memref_squeeze %dma_start3A_470 : memref<1x128xi32, #tpu.memory_space<vmem>> -> memref<128xi32, #tpu.memory_space<vmem>>
        %dma_start3A_472 = arith.constant 0 : i32
        %dma_start3A_473 = arith.constant 0 : i32
        %dma_start3A_474 = tpu.memref_slice %arg3[%dma_start3A_472, %dma_start3A_473] : memref<1000000x64xf32, #tpu.memory_space<hbm>> -> memref<1000000x64xf32, #tpu.memory_space<hbm>>
        tpu.enqueue_indirect_dma source(%dma_start3A_474 : memref<1000000x64xf32, #tpu.memory_space<hbm>>) target(%dma_start3A_468 : memref<128x64xf32, #tpu.memory_space<vmem>>) offsets(%dma_start3A_471 : memref<128xi32, #tpu.memory_space<vmem>>) semaphore(%arg8 : memref<!tpu.dma_semaphore, #tpu.memory_space<semaphore_mem>>)
      } else {
      }
      %mul3A_384 = arith.constant 8 : i32
      %mul3A_385 = arith.muli %scan3A_158, %mul3A_384 : i32
      %add3A_386 = arith.constant 6 : i32
      %add3A_387 = arith.addi %mul3A_385, %add3A_386 : i32
      %dma_wait3A_388 = arith.constant 6 : i32
      %dma_wait3A_389 = arith.constant 0 : i32
      %dma_wait3A_390 = arith.constant 0 : i32
      %dma_wait3A_391 = tpu.memref_slice %arg6[%dma_wait3A_388, %dma_wait3A_389, %dma_wait3A_390] : memref<8x128x64xf32, #tpu.memory_space<vmem>> -> memref<1x128x64xf32, #tpu.memory_space<vmem>>
      %dma_wait3A_392 = tpu.memref_squeeze %dma_wait3A_391 : memref<1x128x64xf32, #tpu.memory_space<vmem>> -> memref<128x64xf32, #tpu.memory_space<vmem>>
      %dma_wait3A_393 = arith.constant 0 : i32
      %dma_wait3A_394 = tpu.memref_slice %arg5[%add3A_387, %dma_wait3A_393] : memref<200x128xi32, #tpu.memory_space<vmem>> -> memref<1x128xi32, #tpu.memory_space<vmem>>
      %dma_wait3A_395 = tpu.memref_squeeze %dma_wait3A_394 : memref<1x128xi32, #tpu.memory_space<vmem>> -> memref<128xi32, #tpu.memory_space<vmem>>
      %dma_wait3A_396 = arith.constant 0 : i32
      %dma_wait3A_397 = arith.constant 0 : i32
      %dma_wait3A_398 = tpu.memref_slice %arg3[%dma_wait3A_396, %dma_wait3A_397] : memref<1000000x64xf32, #tpu.memory_space<hbm>> -> memref<1000000x64xf32, #tpu.memory_space<hbm>>
      tpu.wait_indirect_dma semaphore(%arg13 : memref<!tpu.dma_semaphore, #tpu.memory_space<semaphore_mem>>) src(%dma_wait3A_398 : memref<1000000x64xf32, #tpu.memory_space<hbm>>) dst(%dma_wait3A_392 : memref<128x64xf32, #tpu.memory_space<vmem>>)
      %mul3A_399 = arith.constant 128 : i32
      %mul3A_400 = arith.muli %add3A_387, %mul3A_399 : i32
      %add3A_401 = arith.addi %mul3A_2, %mul3A_400 : i32
      %dma_start3A_402 = arith.constant 6 : i32
      %dma_start3A_403 = arith.constant 0 : i32
      %dma_start3A_404 = arith.constant 0 : i32
      %dma_start3A_405 = tpu.memref_slice %arg6[%dma_start3A_402, %dma_start3A_403, %dma_start3A_404] : memref<8x128x64xf32, #tpu.memory_space<vmem>> -> memref<1x128x64xf32, #tpu.memory_space<vmem>>
      %dma_start3A_406 = tpu.memref_squeeze %dma_start3A_405 : memref<1x128x64xf32, #tpu.memory_space<vmem>> -> memref<128x64xf32, #tpu.memory_space<vmem>>
      %dma_start3A_407 = arith.constant 0 : i32
      %dma_start3A_408 = tpu.memref_slice %arg4[%add3A_401, %dma_start3A_407] : memref<819200x64xf32, #tpu.memory_space<hbm>> -> memref<128x64xf32, #tpu.memory_space<hbm>>
      %dma_start3A_409 = arith.constant 0 : i32
      %dma_start3A_410 = tpu.memref_slice %arg4[%add3A_401, %dma_start3A_409] : memref<819200x64xf32, #tpu.memory_space<hbm>> -> memref<128x64xf32, #tpu.memory_space<hbm>>
      %dma_start3A_411 = arith.constant 0 : i32
      %dma_start3A_412 = arith.constant 0 : i32
      %dma_start3A_413 = tpu.memref_slice %arg6[%dma_start3A_402, %dma_start3A_411, %dma_start3A_412] : memref<8x128x64xf32, #tpu.memory_space<vmem>> -> memref<1x128x64xf32, #tpu.memory_space<vmem>>
      %dma_start3A_414 = tpu.memref_squeeze %dma_start3A_413 : memref<1x128x64xf32, #tpu.memory_space<vmem>> -> memref<128x64xf32, #tpu.memory_space<vmem>>
      tpu.enqueue_dma source(%dma_start3A_414 : memref<128x64xf32, #tpu.memory_space<vmem>>) target(%dma_start3A_410 : memref<128x64xf32, #tpu.memory_space<hbm>>) target_semaphore(%arg21 : memref<!tpu.dma_semaphore, #tpu.memory_space<semaphore_mem>>)
      %add3A_415 = arith.constant 4 : i32
      %add3A_416 = arith.addi %add3A_387, %add3A_415 : i32
      %lt3A_417 = arith.constant 200 : i32
      %lt3A_418 = arith.cmpi slt, %add3A_416, %lt3A_417 : i32
      %convert_element_type3A_419 = arith.extui %lt3A_418 : i1 to i32
      %cond3A_420 = arith.constant 0 : i32
      %cond3A_421 = arith.cmpi ne, %convert_element_type3A_419, %cond3A_420 : i32
      scf.if %cond3A_421 {
        %ge3A = arith.constant 8 : i32
        %ge3A_460 = arith.cmpi sge, %add3A_416, %ge3A : i32
        %convert_element_type3A_461 = arith.extui %ge3A_460 : i1 to i32
        %cond3A_462 = arith.constant 0 : i32
        %cond3A_463 = arith.cmpi ne, %convert_element_type3A_461, %cond3A_462 : i32
        scf.if %cond3A_463 {
          %sub3A = arith.constant 8 : i32
          %sub3A_475 = arith.subi %add3A_416, %sub3A : i32
          %mul3A_476 = arith.constant 128 : i32
          %mul3A_477 = arith.muli %sub3A_475, %mul3A_476 : i32
          %add3A_478 = arith.addi %mul3A_2, %mul3A_477 : i32
          %dma_wait3A_479 = arith.constant 2 : i32
          %dma_wait3A_480 = arith.constant 0 : i32
          %dma_wait3A_481 = arith.constant 0 : i32
          %dma_wait3A_482 = tpu.memref_slice %arg6[%dma_wait3A_479, %dma_wait3A_480, %dma_wait3A_481] : memref<8x128x64xf32, #tpu.memory_space<vmem>> -> memref<1x128x64xf32, #tpu.memory_space<vmem>>
          %dma_wait3A_483 = tpu.memref_squeeze %dma_wait3A_482 : memref<1x128x64xf32, #tpu.memory_space<vmem>> -> memref<128x64xf32, #tpu.memory_space<vmem>>
          %dma_wait3A_484 = arith.constant 0 : i32
          %dma_wait3A_485 = tpu.memref_slice %arg4[%add3A_478, %dma_wait3A_484] : memref<819200x64xf32, #tpu.memory_space<hbm>> -> memref<128x64xf32, #tpu.memory_space<hbm>>
          %dma_wait3A_486 = arith.constant 0 : i32
          %dma_wait3A_487 = tpu.memref_slice %arg4[%add3A_478, %dma_wait3A_486] : memref<819200x64xf32, #tpu.memory_space<hbm>> -> memref<128x64xf32, #tpu.memory_space<hbm>>
          %dma_wait3A_488 = arith.constant 0 : i32
          %dma_wait3A_489 = arith.constant 0 : i32
          %dma_wait3A_490 = tpu.memref_slice %arg6[%dma_wait3A_479, %dma_wait3A_488, %dma_wait3A_489] : memref<8x128x64xf32, #tpu.memory_space<vmem>> -> memref<1x128x64xf32, #tpu.memory_space<vmem>>
          %dma_wait3A_491 = tpu.memref_squeeze %dma_wait3A_490 : memref<1x128x64xf32, #tpu.memory_space<vmem>> -> memref<128x64xf32, #tpu.memory_space<vmem>>
          tpu.wait_dma2 semaphore(%arg17 : memref<!tpu.dma_semaphore, #tpu.memory_space<semaphore_mem>>) src(%dma_wait3A_491 : memref<128x64xf32, #tpu.memory_space<vmem>>) dst(%dma_wait3A_487 : memref<128x64xf32, #tpu.memory_space<hbm>>)
        } else {
        }
        %dma_start3A_464 = arith.constant 2 : i32
        %dma_start3A_465 = arith.constant 0 : i32
        %dma_start3A_466 = arith.constant 0 : i32
        %dma_start3A_467 = tpu.memref_slice %arg6[%dma_start3A_464, %dma_start3A_465, %dma_start3A_466] : memref<8x128x64xf32, #tpu.memory_space<vmem>> -> memref<1x128x64xf32, #tpu.memory_space<vmem>>
        %dma_start3A_468 = tpu.memref_squeeze %dma_start3A_467 : memref<1x128x64xf32, #tpu.memory_space<vmem>> -> memref<128x64xf32, #tpu.memory_space<vmem>>
        %dma_start3A_469 = arith.constant 0 : i32
        %dma_start3A_470 = tpu.memref_slice %arg5[%add3A_416, %dma_start3A_469] : memref<200x128xi32, #tpu.memory_space<vmem>> -> memref<1x128xi32, #tpu.memory_space<vmem>>
        %dma_start3A_471 = tpu.memref_squeeze %dma_start3A_470 : memref<1x128xi32, #tpu.memory_space<vmem>> -> memref<128xi32, #tpu.memory_space<vmem>>
        %dma_start3A_472 = arith.constant 0 : i32
        %dma_start3A_473 = arith.constant 0 : i32
        %dma_start3A_474 = tpu.memref_slice %arg3[%dma_start3A_472, %dma_start3A_473] : memref<1000000x64xf32, #tpu.memory_space<hbm>> -> memref<1000000x64xf32, #tpu.memory_space<hbm>>
        tpu.enqueue_indirect_dma source(%dma_start3A_474 : memref<1000000x64xf32, #tpu.memory_space<hbm>>) target(%dma_start3A_468 : memref<128x64xf32, #tpu.memory_space<vmem>>) offsets(%dma_start3A_471 : memref<128xi32, #tpu.memory_space<vmem>>) semaphore(%arg9 : memref<!tpu.dma_semaphore, #tpu.memory_space<semaphore_mem>>)
      } else {
      }
      %mul3A_422 = arith.constant 8 : i32
      %mul3A_423 = arith.muli %scan3A_158, %mul3A_422 : i32
      %add3A_424 = arith.constant 7 : i32
      %add3A_425 = arith.addi %mul3A_423, %add3A_424 : i32
      %dma_wait3A_426 = arith.constant 7 : i32
      %dma_wait3A_427 = arith.constant 0 : i32
      %dma_wait3A_428 = arith.constant 0 : i32
      %dma_wait3A_429 = tpu.memref_slice %arg6[%dma_wait3A_426, %dma_wait3A_427, %dma_wait3A_428] : memref<8x128x64xf32, #tpu.memory_space<vmem>> -> memref<1x128x64xf32, #tpu.memory_space<vmem>>
      %dma_wait3A_430 = tpu.memref_squeeze %dma_wait3A_429 : memref<1x128x64xf32, #tpu.memory_space<vmem>> -> memref<128x64xf32, #tpu.memory_space<vmem>>
      %dma_wait3A_431 = arith.constant 0 : i32
      %dma_wait3A_432 = tpu.memref_slice %arg5[%add3A_425, %dma_wait3A_431] : memref<200x128xi32, #tpu.memory_space<vmem>> -> memref<1x128xi32, #tpu.memory_space<vmem>>
      %dma_wait3A_433 = tpu.memref_squeeze %dma_wait3A_432 : memref<1x128xi32, #tpu.memory_space<vmem>> -> memref<128xi32, #tpu.memory_space<vmem>>
      %dma_wait3A_434 = arith.constant 0 : i32
      %dma_wait3A_435 = arith.constant 0 : i32
      %dma_wait3A_436 = tpu.memref_slice %arg3[%dma_wait3A_434, %dma_wait3A_435] : memref<1000000x64xf32, #tpu.memory_space<hbm>> -> memref<1000000x64xf32, #tpu.memory_space<hbm>>
      tpu.wait_indirect_dma semaphore(%arg14 : memref<!tpu.dma_semaphore, #tpu.memory_space<semaphore_mem>>) src(%dma_wait3A_436 : memref<1000000x64xf32, #tpu.memory_space<hbm>>) dst(%dma_wait3A_430 : memref<128x64xf32, #tpu.memory_space<vmem>>)
      %mul3A_437 = arith.constant 128 : i32
      %mul3A_438 = arith.muli %add3A_425, %mul3A_437 : i32
      %add3A_439 = arith.addi %mul3A_2, %mul3A_438 : i32
      %dma_start3A_440 = arith.constant 7 : i32
      %dma_start3A_441 = arith.constant 0 : i32
      %dma_start3A_442 = arith.constant 0 : i32
      %dma_start3A_443 = tpu.memref_slice %arg6[%dma_start3A_440, %dma_start3A_441, %dma_start3A_442] : memref<8x128x64xf32, #tpu.memory_space<vmem>> -> memref<1x128x64xf32, #tpu.memory_space<vmem>>
      %dma_start3A_444 = tpu.memref_squeeze %dma_start3A_443 : memref<1x128x64xf32, #tpu.memory_space<vmem>> -> memref<128x64xf32, #tpu.memory_space<vmem>>
      %dma_start3A_445 = arith.constant 0 : i32
      %dma_start3A_446 = tpu.memref_slice %arg4[%add3A_439, %dma_start3A_445] : memref<819200x64xf32, #tpu.memory_space<hbm>> -> memref<128x64xf32, #tpu.memory_space<hbm>>
      %dma_start3A_447 = arith.constant 0 : i32
      %dma_start3A_448 = tpu.memref_slice %arg4[%add3A_439, %dma_start3A_447] : memref<819200x64xf32, #tpu.memory_space<hbm>> -> memref<128x64xf32, #tpu.memory_space<hbm>>
      %dma_start3A_449 = arith.constant 0 : i32
      %dma_start3A_450 = arith.constant 0 : i32
      %dma_start3A_451 = tpu.memref_slice %arg6[%dma_start3A_440, %dma_start3A_449, %dma_start3A_450] : memref<8x128x64xf32, #tpu.memory_space<vmem>> -> memref<1x128x64xf32, #tpu.memory_space<vmem>>
      %dma_start3A_452 = tpu.memref_squeeze %dma_start3A_451 : memref<1x128x64xf32, #tpu.memory_space<vmem>> -> memref<128x64xf32, #tpu.memory_space<vmem>>
      tpu.enqueue_dma source(%dma_start3A_452 : memref<128x64xf32, #tpu.memory_space<vmem>>) target(%dma_start3A_448 : memref<128x64xf32, #tpu.memory_space<hbm>>) target_semaphore(%arg22 : memref<!tpu.dma_semaphore, #tpu.memory_space<semaphore_mem>>)
      %add3A_453 = arith.constant 4 : i32
      %add3A_454 = arith.addi %add3A_425, %add3A_453 : i32
      %lt3A_455 = arith.constant 200 : i32
      %lt3A_456 = arith.cmpi slt, %add3A_454, %lt3A_455 : i32
      %convert_element_type3A_457 = arith.extui %lt3A_456 : i1 to i32
      %cond3A_458 = arith.constant 0 : i32
      %cond3A_459 = arith.cmpi ne, %convert_element_type3A_457, %cond3A_458 : i32
      scf.if %cond3A_459 {
        %ge3A = arith.constant 8 : i32
        %ge3A_460 = arith.cmpi sge, %add3A_454, %ge3A : i32
        %convert_element_type3A_461 = arith.extui %ge3A_460 : i1 to i32
        %cond3A_462 = arith.constant 0 : i32
        %cond3A_463 = arith.cmpi ne, %convert_element_type3A_461, %cond3A_462 : i32
        scf.if %cond3A_463 {
          %sub3A = arith.constant 8 : i32
          %sub3A_475 = arith.subi %add3A_454, %sub3A : i32
          %mul3A_476 = arith.constant 128 : i32
          %mul3A_477 = arith.muli %sub3A_475, %mul3A_476 : i32
          %add3A_478 = arith.addi %mul3A_2, %mul3A_477 : i32
          %dma_wait3A_479 = arith.constant 3 : i32
          %dma_wait3A_480 = arith.constant 0 : i32
          %dma_wait3A_481 = arith.constant 0 : i32
          %dma_wait3A_482 = tpu.memref_slice %arg6[%dma_wait3A_479, %dma_wait3A_480, %dma_wait3A_481] : memref<8x128x64xf32, #tpu.memory_space<vmem>> -> memref<1x128x64xf32, #tpu.memory_space<vmem>>
          %dma_wait3A_483 = tpu.memref_squeeze %dma_wait3A_482 : memref<1x128x64xf32, #tpu.memory_space<vmem>> -> memref<128x64xf32, #tpu.memory_space<vmem>>
          %dma_wait3A_484 = arith.constant 0 : i32
          %dma_wait3A_485 = tpu.memref_slice %arg4[%add3A_478, %dma_wait3A_484] : memref<819200x64xf32, #tpu.memory_space<hbm>> -> memref<128x64xf32, #tpu.memory_space<hbm>>
          %dma_wait3A_486 = arith.constant 0 : i32
          %dma_wait3A_487 = tpu.memref_slice %arg4[%add3A_478, %dma_wait3A_486] : memref<819200x64xf32, #tpu.memory_space<hbm>> -> memref<128x64xf32, #tpu.memory_space<hbm>>
          %dma_wait3A_488 = arith.constant 0 : i32
          %dma_wait3A_489 = arith.constant 0 : i32
          %dma_wait3A_490 = tpu.memref_slice %arg6[%dma_wait3A_479, %dma_wait3A_488, %dma_wait3A_489] : memref<8x128x64xf32, #tpu.memory_space<vmem>> -> memref<1x128x64xf32, #tpu.memory_space<vmem>>
          %dma_wait3A_491 = tpu.memref_squeeze %dma_wait3A_490 : memref<1x128x64xf32, #tpu.memory_space<vmem>> -> memref<128x64xf32, #tpu.memory_space<vmem>>
          tpu.wait_dma2 semaphore(%arg18 : memref<!tpu.dma_semaphore, #tpu.memory_space<semaphore_mem>>) src(%dma_wait3A_491 : memref<128x64xf32, #tpu.memory_space<vmem>>) dst(%dma_wait3A_487 : memref<128x64xf32, #tpu.memory_space<hbm>>)
        } else {
        }
        %dma_start3A_464 = arith.constant 3 : i32
        %dma_start3A_465 = arith.constant 0 : i32
        %dma_start3A_466 = arith.constant 0 : i32
        %dma_start3A_467 = tpu.memref_slice %arg6[%dma_start3A_464, %dma_start3A_465, %dma_start3A_466] : memref<8x128x64xf32, #tpu.memory_space<vmem>> -> memref<1x128x64xf32, #tpu.memory_space<vmem>>
        %dma_start3A_468 = tpu.memref_squeeze %dma_start3A_467 : memref<1x128x64xf32, #tpu.memory_space<vmem>> -> memref<128x64xf32, #tpu.memory_space<vmem>>
        %dma_start3A_469 = arith.constant 0 : i32
        %dma_start3A_470 = tpu.memref_slice %arg5[%add3A_454, %dma_start3A_469] : memref<200x128xi32, #tpu.memory_space<vmem>> -> memref<1x128xi32, #tpu.memory_space<vmem>>
        %dma_start3A_471 = tpu.memref_squeeze %dma_start3A_470 : memref<1x128xi32, #tpu.memory_space<vmem>> -> memref<128xi32, #tpu.memory_space<vmem>>
        %dma_start3A_472 = arith.constant 0 : i32
        %dma_start3A_473 = arith.constant 0 : i32
        %dma_start3A_474 = tpu.memref_slice %arg3[%dma_start3A_472, %dma_start3A_473] : memref<1000000x64xf32, #tpu.memory_space<hbm>> -> memref<1000000x64xf32, #tpu.memory_space<hbm>>
        tpu.enqueue_indirect_dma source(%dma_start3A_474 : memref<1000000x64xf32, #tpu.memory_space<hbm>>) target(%dma_start3A_468 : memref<128x64xf32, #tpu.memory_space<vmem>>) offsets(%dma_start3A_471 : memref<128xi32, #tpu.memory_space<vmem>>) semaphore(%arg10 : memref<!tpu.dma_semaphore, #tpu.memory_space<semaphore_mem>>)
      } else {
      }
    }
    %scan3A_54 = arith.constant 25 : i32
    %dma_wait3A = arith.constant 0 : i32
    %dma_wait3A_55 = arith.constant 0 : i32
    %dma_wait3A_56 = arith.constant 0 : i32
    %dma_wait3A_57 = tpu.memref_slice %arg6[%dma_wait3A, %dma_wait3A_55, %dma_wait3A_56] : memref<8x128x64xf32, #tpu.memory_space<vmem>> -> memref<1x128x64xf32, #tpu.memory_space<vmem>>
    %dma_wait3A_58 = tpu.memref_squeeze %dma_wait3A_57 : memref<1x128x64xf32, #tpu.memory_space<vmem>> -> memref<128x64xf32, #tpu.memory_space<vmem>>
    %dma_wait3A_59 = arith.constant 0 : i32
    %dma_wait3A_60 = tpu.memref_slice %arg4[%mul3A_2, %dma_wait3A_59] : memref<819200x64xf32, #tpu.memory_space<hbm>> -> memref<128x64xf32, #tpu.memory_space<hbm>>
    %dma_wait3A_61 = arith.constant 0 : i32
    %dma_wait3A_62 = tpu.memref_slice %arg4[%mul3A_2, %dma_wait3A_61] : memref<819200x64xf32, #tpu.memory_space<hbm>> -> memref<128x64xf32, #tpu.memory_space<hbm>>
    %dma_wait3A_63 = arith.constant 0 : i32
    %dma_wait3A_64 = arith.constant 0 : i32
    %dma_wait3A_65 = tpu.memref_slice %arg6[%dma_wait3A, %dma_wait3A_63, %dma_wait3A_64] : memref<8x128x64xf32, #tpu.memory_space<vmem>> -> memref<1x128x64xf32, #tpu.memory_space<vmem>>
    %dma_wait3A_66 = tpu.memref_squeeze %dma_wait3A_65 : memref<1x128x64xf32, #tpu.memory_space<vmem>> -> memref<128x64xf32, #tpu.memory_space<vmem>>
    tpu.wait_dma2 semaphore(%arg15 : memref<!tpu.dma_semaphore, #tpu.memory_space<semaphore_mem>>) src(%dma_wait3A_66 : memref<128x64xf32, #tpu.memory_space<vmem>>) dst(%dma_wait3A_62 : memref<128x64xf32, #tpu.memory_space<hbm>>)
    %dma_wait3A_67 = arith.constant 1 : i32
    %dma_wait3A_68 = arith.constant 0 : i32
    %dma_wait3A_69 = arith.constant 0 : i32
    %dma_wait3A_70 = tpu.memref_slice %arg6[%dma_wait3A_67, %dma_wait3A_68, %dma_wait3A_69] : memref<8x128x64xf32, #tpu.memory_space<vmem>> -> memref<1x128x64xf32, #tpu.memory_space<vmem>>
    %dma_wait3A_71 = tpu.memref_squeeze %dma_wait3A_70 : memref<1x128x64xf32, #tpu.memory_space<vmem>> -> memref<128x64xf32, #tpu.memory_space<vmem>>
    %dma_wait3A_72 = arith.constant 0 : i32
    %dma_wait3A_73 = tpu.memref_slice %arg4[%mul3A_2, %dma_wait3A_72] : memref<819200x64xf32, #tpu.memory_space<hbm>> -> memref<128x64xf32, #tpu.memory_space<hbm>>
    %dma_wait3A_74 = arith.constant 0 : i32
    %dma_wait3A_75 = tpu.memref_slice %arg4[%mul3A_2, %dma_wait3A_74] : memref<819200x64xf32, #tpu.memory_space<hbm>> -> memref<128x64xf32, #tpu.memory_space<hbm>>
    %dma_wait3A_76 = arith.constant 0 : i32
    %dma_wait3A_77 = arith.constant 0 : i32
    %dma_wait3A_78 = tpu.memref_slice %arg6[%dma_wait3A_67, %dma_wait3A_76, %dma_wait3A_77] : memref<8x128x64xf32, #tpu.memory_space<vmem>> -> memref<1x128x64xf32, #tpu.memory_space<vmem>>
    %dma_wait3A_79 = tpu.memref_squeeze %dma_wait3A_78 : memref<1x128x64xf32, #tpu.memory_space<vmem>> -> memref<128x64xf32, #tpu.memory_space<vmem>>
    tpu.wait_dma2 semaphore(%arg16 : memref<!tpu.dma_semaphore, #tpu.memory_space<semaphore_mem>>) src(%dma_wait3A_79 : memref<128x64xf32, #tpu.memory_space<vmem>>) dst(%dma_wait3A_75 : memref<128x64xf32, #tpu.memory_space<hbm>>)
    %dma_wait3A_80 = arith.constant 2 : i32
    %dma_wait3A_81 = arith.constant 0 : i32
    %dma_wait3A_82 = arith.constant 0 : i32
    %dma_wait3A_83 = tpu.memref_slice %arg6[%dma_wait3A_80, %dma_wait3A_81, %dma_wait3A_82] : memref<8x128x64xf32, #tpu.memory_space<vmem>> -> memref<1x128x64xf32, #tpu.memory_space<vmem>>
    %dma_wait3A_84 = tpu.memref_squeeze %dma_wait3A_83 : memref<1x128x64xf32, #tpu.memory_space<vmem>> -> memref<128x64xf32, #tpu.memory_space<vmem>>
    %dma_wait3A_85 = arith.constant 0 : i32
    %dma_wait3A_86 = tpu.memref_slice %arg4[%mul3A_2, %dma_wait3A_85] : memref<819200x64xf32, #tpu.memory_space<hbm>> -> memref<128x64xf32, #tpu.memory_space<hbm>>
    %dma_wait3A_87 = arith.constant 0 : i32
    %dma_wait3A_88 = tpu.memref_slice %arg4[%mul3A_2, %dma_wait3A_87] : memref<819200x64xf32, #tpu.memory_space<hbm>> -> memref<128x64xf32, #tpu.memory_space<hbm>>
    %dma_wait3A_89 = arith.constant 0 : i32
    %dma_wait3A_90 = arith.constant 0 : i32
    %dma_wait3A_91 = tpu.memref_slice %arg6[%dma_wait3A_80, %dma_wait3A_89, %dma_wait3A_90] : memref<8x128x64xf32, #tpu.memory_space<vmem>> -> memref<1x128x64xf32, #tpu.memory_space<vmem>>
    %dma_wait3A_92 = tpu.memref_squeeze %dma_wait3A_91 : memref<1x128x64xf32, #tpu.memory_space<vmem>> -> memref<128x64xf32, #tpu.memory_space<vmem>>
    tpu.wait_dma2 semaphore(%arg17 : memref<!tpu.dma_semaphore, #tpu.memory_space<semaphore_mem>>) src(%dma_wait3A_92 : memref<128x64xf32, #tpu.memory_space<vmem>>) dst(%dma_wait3A_88 : memref<128x64xf32, #tpu.memory_space<hbm>>)
    %dma_wait3A_93 = arith.constant 3 : i32
    %dma_wait3A_94 = arith.constant 0 : i32
    %dma_wait3A_95 = arith.constant 0 : i32
    %dma_wait3A_96 = tpu.memref_slice %arg6[%dma_wait3A_93, %dma_wait3A_94, %dma_wait3A_95] : memref<8x128x64xf32, #tpu.memory_space<vmem>> -> memref<1x128x64xf32, #tpu.memory_space<vmem>>
    %dma_wait3A_97 = tpu.memref_squeeze %dma_wait3A_96 : memref<1x128x64xf32, #tpu.memory_space<vmem>> -> memref<128x64xf32, #tpu.memory_space<vmem>>
    %dma_wait3A_98 = arith.constant 0 : i32
    %dma_wait3A_99 = tpu.memref_slice %arg4[%mul3A_2, %dma_wait3A_98] : memref<819200x64xf32, #tpu.memory_space<hbm>> -> memref<128x64xf32, #tpu.memory_space<hbm>>
    %dma_wait3A_100 = arith.constant 0 : i32
    %dma_wait3A_101 = tpu.memref_slice %arg4[%mul3A_2, %dma_wait3A_100] : memref<819200x64xf32, #tpu.memory_space<hbm>> -> memref<128x64xf32, #tpu.memory_space<hbm>>
    %dma_wait3A_102 = arith.constant 0 : i32
    %dma_wait3A_103 = arith.constant 0 : i32
    %dma_wait3A_104 = tpu.memref_slice %arg6[%dma_wait3A_93, %dma_wait3A_102, %dma_wait3A_103] : memref<8x128x64xf32, #tpu.memory_space<vmem>> -> memref<1x128x64xf32, #tpu.memory_space<vmem>>
    %dma_wait3A_105 = tpu.memref_squeeze %dma_wait3A_104 : memref<1x128x64xf32, #tpu.memory_space<vmem>> -> memref<128x64xf32, #tpu.memory_space<vmem>>
    tpu.wait_dma2 semaphore(%arg18 : memref<!tpu.dma_semaphore, #tpu.memory_space<semaphore_mem>>) src(%dma_wait3A_105 : memref<128x64xf32, #tpu.memory_space<vmem>>) dst(%dma_wait3A_101 : memref<128x64xf32, #tpu.memory_space<hbm>>)
    %dma_wait3A_106 = arith.constant 4 : i32
    %dma_wait3A_107 = arith.constant 0 : i32
    %dma_wait3A_108 = arith.constant 0 : i32
    %dma_wait3A_109 = tpu.memref_slice %arg6[%dma_wait3A_106, %dma_wait3A_107, %dma_wait3A_108] : memref<8x128x64xf32, #tpu.memory_space<vmem>> -> memref<1x128x64xf32, #tpu.memory_space<vmem>>
    %dma_wait3A_110 = tpu.memref_squeeze %dma_wait3A_109 : memref<1x128x64xf32, #tpu.memory_space<vmem>> -> memref<128x64xf32, #tpu.memory_space<vmem>>
    %dma_wait3A_111 = arith.constant 0 : i32
    %dma_wait3A_112 = tpu.memref_slice %arg4[%mul3A_2, %dma_wait3A_111] : memref<819200x64xf32, #tpu.memory_space<hbm>> -> memref<128x64xf32, #tpu.memory_space<hbm>>
    %dma_wait3A_113 = arith.constant 0 : i32
    %dma_wait3A_114 = tpu.memref_slice %arg4[%mul3A_2, %dma_wait3A_113] : memref<819200x64xf32, #tpu.memory_space<hbm>> -> memref<128x64xf32, #tpu.memory_space<hbm>>
    %dma_wait3A_115 = arith.constant 0 : i32
    %dma_wait3A_116 = arith.constant 0 : i32
    %dma_wait3A_117 = tpu.memref_slice %arg6[%dma_wait3A_106, %dma_wait3A_115, %dma_wait3A_116] : memref<8x128x64xf32, #tpu.memory_space<vmem>> -> memref<1x128x64xf32, #tpu.memory_space<vmem>>
    %dma_wait3A_118 = tpu.memref_squeeze %dma_wait3A_117 : memref<1x128x64xf32, #tpu.memory_space<vmem>> -> memref<128x64xf32, #tpu.memory_space<vmem>>
    tpu.wait_dma2 semaphore(%arg19 : memref<!tpu.dma_semaphore, #tpu.memory_space<semaphore_mem>>) src(%dma_wait3A_118 : memref<128x64xf32, #tpu.memory_space<vmem>>) dst(%dma_wait3A_114 : memref<128x64xf32, #tpu.memory_space<hbm>>)
    %dma_wait3A_119 = arith.constant 5 : i32
    %dma_wait3A_120 = arith.constant 0 : i32
    %dma_wait3A_121 = arith.constant 0 : i32
    %dma_wait3A_122 = tpu.memref_slice %arg6[%dma_wait3A_119, %dma_wait3A_120, %dma_wait3A_121] : memref<8x128x64xf32, #tpu.memory_space<vmem>> -> memref<1x128x64xf32, #tpu.memory_space<vmem>>
    %dma_wait3A_123 = tpu.memref_squeeze %dma_wait3A_122 : memref<1x128x64xf32, #tpu.memory_space<vmem>> -> memref<128x64xf32, #tpu.memory_space<vmem>>
    %dma_wait3A_124 = arith.constant 0 : i32
    %dma_wait3A_125 = tpu.memref_slice %arg4[%mul3A_2, %dma_wait3A_124] : memref<819200x64xf32, #tpu.memory_space<hbm>> -> memref<128x64xf32, #tpu.memory_space<hbm>>
    %dma_wait3A_126 = arith.constant 0 : i32
    %dma_wait3A_127 = tpu.memref_slice %arg4[%mul3A_2, %dma_wait3A_126] : memref<819200x64xf32, #tpu.memory_space<hbm>> -> memref<128x64xf32, #tpu.memory_space<hbm>>
    %dma_wait3A_128 = arith.constant 0 : i32
    %dma_wait3A_129 = arith.constant 0 : i32
    %dma_wait3A_130 = tpu.memref_slice %arg6[%dma_wait3A_119, %dma_wait3A_128, %dma_wait3A_129] : memref<8x128x64xf32, #tpu.memory_space<vmem>> -> memref<1x128x64xf32, #tpu.memory_space<vmem>>
    %dma_wait3A_131 = tpu.memref_squeeze %dma_wait3A_130 : memref<1x128x64xf32, #tpu.memory_space<vmem>> -> memref<128x64xf32, #tpu.memory_space<vmem>>
    tpu.wait_dma2 semaphore(%arg20 : memref<!tpu.dma_semaphore, #tpu.memory_space<semaphore_mem>>) src(%dma_wait3A_131 : memref<128x64xf32, #tpu.memory_space<vmem>>) dst(%dma_wait3A_127 : memref<128x64xf32, #tpu.memory_space<hbm>>)
    %dma_wait3A_132 = arith.constant 6 : i32
    %dma_wait3A_133 = arith.constant 0 : i32
    %dma_wait3A_134 = arith.constant 0 : i32
    %dma_wait3A_135 = tpu.memref_slice %arg6[%dma_wait3A_132, %dma_wait3A_133, %dma_wait3A_134] : memref<8x128x64xf32, #tpu.memory_space<vmem>> -> memref<1x128x64xf32, #tpu.memory_space<vmem>>
    %dma_wait3A_136 = tpu.memref_squeeze %dma_wait3A_135 : memref<1x128x64xf32, #tpu.memory_space<vmem>> -> memref<128x64xf32, #tpu.memory_space<vmem>>
    %dma_wait3A_137 = arith.constant 0 : i32
    %dma_wait3A_138 = tpu.memref_slice %arg4[%mul3A_2, %dma_wait3A_137] : memref<819200x64xf32, #tpu.memory_space<hbm>> -> memref<128x64xf32, #tpu.memory_space<hbm>>
    %dma_wait3A_139 = arith.constant 0 : i32
    %dma_wait3A_140 = tpu.memref_slice %arg4[%mul3A_2, %dma_wait3A_139] : memref<819200x64xf32, #tpu.memory_space<hbm>> -> memref<128x64xf32, #tpu.memory_space<hbm>>
    %dma_wait3A_141 = arith.constant 0 : i32
    %dma_wait3A_142 = arith.constant 0 : i32
    %dma_wait3A_143 = tpu.memref_slice %arg6[%dma_wait3A_132, %dma_wait3A_141, %dma_wait3A_142] : memref<8x128x64xf32, #tpu.memory_space<vmem>> -> memref<1x128x64xf32, #tpu.memory_space<vmem>>
    %dma_wait3A_144 = tpu.memref_squeeze %dma_wait3A_143 : memref<1x128x64xf32, #tpu.memory_space<vmem>> -> memref<128x64xf32, #tpu.memory_space<vmem>>
    tpu.wait_dma2 semaphore(%arg21 : memref<!tpu.dma_semaphore, #tpu.memory_space<semaphore_mem>>) src(%dma_wait3A_144 : memref<128x64xf32, #tpu.memory_space<vmem>>) dst(%dma_wait3A_140 : memref<128x64xf32, #tpu.memory_space<hbm>>)
    %dma_wait3A_145 = arith.constant 7 : i32
    %dma_wait3A_146 = arith.constant 0 : i32
    %dma_wait3A_147 = arith.constant 0 : i32
    %dma_wait3A_148 = tpu.memref_slice %arg6[%dma_wait3A_145, %dma_wait3A_146, %dma_wait3A_147] : memref<8x128x64xf32, #tpu.memory_space<vmem>> -> memref<1x128x64xf32, #tpu.memory_space<vmem>>
    %dma_wait3A_149 = tpu.memref_squeeze %dma_wait3A_148 : memref<1x128x64xf32, #tpu.memory_space<vmem>> -> memref<128x64xf32, #tpu.memory_space<vmem>>
    %dma_wait3A_150 = arith.constant 0 : i32
    %dma_wait3A_151 = tpu.memref_slice %arg4[%mul3A_2, %dma_wait3A_150] : memref<819200x64xf32, #tpu.memory_space<hbm>> -> memref<128x64xf32, #tpu.memory_space<hbm>>
    %dma_wait3A_152 = arith.constant 0 : i32
    %dma_wait3A_153 = tpu.memref_slice %arg4[%mul3A_2, %dma_wait3A_152] : memref<819200x64xf32, #tpu.memory_space<hbm>> -> memref<128x64xf32, #tpu.memory_space<hbm>>
    %dma_wait3A_154 = arith.constant 0 : i32
    %dma_wait3A_155 = arith.constant 0 : i32
    %dma_wait3A_156 = tpu.memref_slice %arg6[%dma_wait3A_145, %dma_wait3A_154, %dma_wait3A_155] : memref<8x128x64xf32, #tpu.memory_space<vmem>> -> memref<1x128x64xf32, #tpu.memory_space<vmem>>
    %dma_wait3A_157 = tpu.memref_squeeze %dma_wait3A_156 : memref<1x128x64xf32, #tpu.memory_space<vmem>> -> memref<128x64xf32, #tpu.memory_space<vmem>>
    tpu.wait_dma2 semaphore(%arg22 : memref<!tpu.dma_semaphore, #tpu.memory_space<semaphore_mem>>) src(%dma_wait3A_157 : memref<128x64xf32, #tpu.memory_space<vmem>>) dst(%dma_wait3A_153 : memref<128x64xf32, #tpu.memory_space<hbm>>)
    return
  }
}

</mosaic_0001>

<sc_bundles>
// kernel: kernel.3.cloned.1.call-start
scs
__scs_entry_jumppad:
0x0: {  	(pc) =	sbr.rel $0x88, $3  }
0x1: {  	(tag) =	ssettag $0x0;
	lr =	simm.s32 $0x1  }
0x2: {  	[smem:$0x3F9F] =	sst lr;
	_ =	strace $0xD0000000  }
0x3: {  	_ = 	snop  }
0x4: {  	_ = 	snop  }
0x5: {  	_ = 	snop  }
0x6: {  	_ = 	snop  }
0x7: {  	_ = 	snop  }
__scs_overlays_trampoline_lowered:
0x8: {  	[smem:$0x3FAE] =	sst s0  }
0x9: {  	[smem:$0x3FAF] =	sst s1  }
0xa: {  	[smem:$0x3FB0] =	sst s2  }
0xb: {  	[smem:$0x3FB1] =	sst s3  }
0xc: {  	[smem:$0x3FB2] =	sst s4  }
0xd: {  	[smem:$0x3FB3] =	sst s5  }
0xe: {  	[smem:$0x3FB4] =	sst s6  }
0xf: {  	[smem:$0x3FB5] =	sst s7  }
0x10: {  	[smem:$0x3FB6] =	sst s8  }
0x11: {  	[smem:$0x3FB7] =	sst s9;
	s0 =	simm.s32 @!p0 $0x0  }
0x12: {  	s1 =	sld [smem:$0x3F9D];
	s0 =	simm.s32 @p0 $0x1  }
0x13: {  	[smem:$0x3FB8] =	sst s0;
	s0 =	simm.s32 @!p1 $0x0  }
0x14: {  	s2 =	sld [smem:$0x3F9C];
	s0 =	simm.s32 @p1 $0x1  }
0x15: {  	[smem:$0x3FB9] =	sst s0;
	s0 =	simm.s32 @!p2 $0x0  }
0x16: {  	s3 =	sld [smem:$0x3FDB];
	s0 =	simm.s32 @p2 $0x1  }
0x17: {  	s4 =	simm.s32 $0x1BF5;
	[smem:$0x3FBB] =	sst s0  }
0x18: {  	s0 =	sld [smem:$0x3F9E];
	_ =	swait.ge [sflag:s4], $0x0  }
0x19: {  	s7 =	sld [smem:$0x3F9F]  }
0x1a: {  	s8 =	sadd.s32 $0xFFFFE003, lr  }
0x1b: {  	s9 =	sadd.s32 $0xFFFFFEF7, lr;
	s5 =	simm.s32 $0xFFFFFFFF;
	p2 =	slt.u32 s8, $0xFFFFF086  }
0x1c: {  	p1 =	slt.u32 s9, $0xF7A;
	s5 =	simm.s32 @!p2 $0x0  }
0x1d: {  	s5 =	simm.s32 @p1 $0x1;
	p0 =	seq.s32 s7, s2  }
0x1e: {  	s7 =	smul.u32 @!p0 $0xF7A, s2;
	p2 =	seq.s32 @!p0 s5, $0x0  }
0x1f: {  	s9 =	smul.u32 $0xF7A, s1;
	s8 =	simm.s32 @!p0 $0x1BF5;
	p2 =	por !p2, p0  }
0x20: {  	[sflag:s8] =	ssyncset.s32 @!p0 $0xFFFFF086;
	s6 =	sadd.s32 @!p0 s3, s7;
	s7 =	simm.s32 @!p0 $0x108  }
0x21: {  	s3 =	sadd.s32 s3, s9;
	s6 =	sadd.s32 @!p0 $0x88, s6;
	s7 =	simm.s32 @p2 $0x1082  }
0x22: {  	[simem:s7], [sflag:s8] =	dma.local @!p0 [hbm:s6], $0xF7A  }
0x23: {  	s9 =	sor.u32 $0xD0000000, s2;
	s6 =	simm.s32 $0x108;
	_ =	swait.ge @!p0 [sflag:s8], $0x0  }
0x24: {  	s3 =	sadd.s32 $0x88, s3;
	s6 =	simm.s32 @!p1 $0x1082;
	[sflag:s4] =	ssyncset.s32 $0xFFFFF086  }
0x25: {  	[simem:s6], [sflag:s4] =	dma.local [hbm:s3], $0xF7A  }
0x26: {  	[smem:$0x3F9F] =	sst s1;
	(tag) =	ssettag s2;
	_ =	strace s9  }
0x27: {  	s1 =	sld [smem:$0x3FAF]  }
0x28: {  	s2 =	sld [smem:$0x3FB0]  }
0x29: {  	s4 =	sld [smem:$0x3FB2]  }
0x2a: {  	p0 =	seq.s32 s5, $0x0;
	s5 =	sld [smem:$0x3FB3]  }
0x2b: {  	s6 =	sld [smem:$0x3FB4]  }
0x2c: {  	s7 =	sld [smem:$0x3FB5]  }
0x2d: {  	s3 =	simm.s32 $0x108;
	s8 =	sld [smem:$0x3FB6]  }
0x2e: {  	s3 =	simm.s32 @!p0 $0x1082;
	s9 =	sld [smem:$0x3FB7]  }
0x2f: {  	lr =	sadd.s32 s0, s3;
	s0 =	sld [smem:$0x3FAE]  }
0x30: {  	s3 =	sld [smem:$0x3FB1]  }
0x31: {  	[smem:$0x3FBA] =	sst s10  }
0x32: {  	s10 =	sld [smem:$0x3FB8];
	_ =	sdelay $0x3  }
0x33: {  	p0 =	seq.s32 s10, $0x1;
	s10 =	sld [smem:$0x3FBA];
	_ =	sdelay $0x3  }
0x34: {  	[smem:$0x3FBA] =	sst s10  }
0x35: {  	s10 =	sld [smem:$0x3FB9];
	_ =	sdelay $0x3  }
0x36: {  	p1 =	seq.s32 s10, $0x1;
	s10 =	sld [smem:$0x3FBA];
	_ =	sdelay $0x3  }
0x37: {  	[smem:$0x3FBA] =	sst s10  }
0x38: {  	s10 =	sld [smem:$0x3FBB]  }
0x39: {  	_ = 	snop;
	(pc) =	sbr.ind lr, $3  }
0x3a: {  	_ = 	snop  }
0x3b: {  	_ = 	snop  }
0x3c: {  	p2 =	seq.s32 s10, $0x1;
	s10 =	sld [smem:$0x3FBA]  }
0x3d: {  	_ =	shalt  }
0x3e: {  	_ =	shalt  }
0x3f: {  	_ =	shalt  }
0x40: {  	_ =	shalt  }
0x41: {  	_ =	shalt  }
0x42: {  	_ =	shalt  }
0x43: {  	_ =	shalt  }
0x44: {  	_ =	shalt  }
0x45: {  	_ =	shalt  }
0x46: {  	_ =	shalt  }
0x47: {  	_ =	shalt  }
0x48: {  	_ =	shalt  }
0x49: {  	_ =	shalt  }
0x4a: {  	_ =	shalt  }
0x4b: {  	_ =	shalt  }
0x4c: {  	_ =	shalt  }
0x4d: {  	_ =	shalt  }
0x4e: {  	_ =	shalt  }
0x4f: {  	_ =	shalt  }
0x50: {  	_ =	shalt  }
0x51: {  	_ =	shalt  }
0x52: {  	_ =	shalt  }
0x53: {  	_ =	shalt  }
0x54: {  	_ =	shalt  }
0x55: {  	_ =	shalt  }
0x56: {  	_ =	shalt  }
0x57: {  	_ =	shalt  }
0x58: {  	_ =	shalt  }
0x59: {  	_ =	shalt  }
0x5a: {  	_ =	shalt  }
0x5b: {  	_ =	shalt  }
0x5c: {  	_ =	shalt  }
0x5d: {  	_ =	shalt  }
0x5e: {  	_ =	shalt  }
0x5f: {  	_ =	shalt  }
0x60: {  	_ =	shalt  }
0x61: {  	_ =	shalt  }
0x62: {  	_ =	shalt  }
0x63: {  	_ =	shalt  }
0x64: {  	_ =	shalt  }
0x65: {  	_ =	shalt  }
0x66: {  	_ =	shalt  }
0x67: {  	_ =	shalt  }
0x68: {  	_ =	shalt  }
0x69: {  	_ =	shalt  }
0x6a: {  	_ =	shalt  }
0x6b: {  	_ =	shalt  }
0x6c: {  	_ =	shalt  }
0x6d: {  	_ =	shalt  }
0x6e: {  	_ =	shalt  }
0x6f: {  	_ =	shalt  }
0x70: {  	_ =	shalt  }
0x71: {  	_ =	shalt  }
0x72: {  	_ =	shalt  }
0x73: {  	_ =	shalt  }
0x74: {  	_ =	shalt  }
0x75: {  	_ =	shalt  }
0x76: {  	_ =	shalt  }
0x77: {  	_ =	shalt  }
0x78: {  	_ =	shalt  }
0x79: {  	_ =	shalt  }
0x7a: {  	_ =	shalt  }
0x7b: {  	_ =	shalt  }
0x7c: {  	_ =	shalt  }
0x7d: {  	_ =	shalt  }
0x7e: {  	_ =	shalt  }
0x7f: {  	_ =	shalt  }
0x80: {  	_ =	shalt  }
0x81: {  	_ =	shalt  }
0x82: {  	_ =	shalt  }
0x83: {  	_ =	shalt  }
0x84: {  	_ =	shalt  }
0x85: {  	_ =	shalt  }
0x86: {  	_ =	shalt  }
0x87: {  	_ =	shalt  }
.Lfunc_end0:
.L_simem_size_0:
called_computation.1_lowered:
.L_overlay_start_0:
0x88: {  	s2 =	sld [smem:$0x3FD9]  }
0x89: {  	s3 =	sld [smem:$0x3FFE];
	_ =	sdelay $0x1  }
0x8a: {  	s1 =	srdreg.scid  }
0x8b: {  	s0 =	sand.u32 $0x1, s1  }
0x8c: {  	s17 =	sshll.u32 s0, $0xA;
	s2 =	sadd.s32 s3, s2  }
0x8d: {  	s2 =	sadd.s32 s2, s17  }
0x8e: {  	[smem:$0x3FC6] =	sst s2  }
0x8f: {  	_ = 	snop  }
0x90: {  	s2 =	sld [smem:$0x3FD0];
	(tm) =	ssettm $0x1  }
0x91: {  	s18 =	sld [smem:$0x3FFB];
	_ =	sdelay $0x3  }
0x92: {  	_ =	strace s18  }
0x93: {  	s3 =	sld [smem:$0x3FFC];
	_ =	sdelay $0x3  }
0x94: {  	_ =	strace s3  }
0x95: {  	s3 =	sld [smem:$0x3FFD];
	_ =	sdelay $0x3  }
0x96: {  	_ =	strace s3  }
0x97: {  	_ =	strace $0x8FFFFFFF  }
0x98: {  	s19 =	sld [smem:$0x3FDB];
	_ =	sdelay $0x1  }
0x99: {  	s4 =	simm.s32 $_scs_section_size  }
0x9a: {  	s5 =	simm.s32 $_size__tile_overlayer_lowered;
	s6 =	simm.s32 $_tile_overlayer_lowered  }
0x9b: {  	s22 =	simm.s32 $0x1BFF;
	s21 =	sshll.u32 s6, $0x1;
	s3 =	sadd.s32 s4, s19  }
0x9c: {  	s7 =	simm.s32 $0x0;
	s20 =	sshll.u32 s5, $0x1;
	s5 =	sadd.s32 s21, s3  }
0x9d: {  	[timem:s7], [sflag:s22] =	dma.local [hbm:s5], s20  }
0x9e: {  	_ =	swait.ge [sflag:s22], s20  }
0x9f: {  	s4 =	ssub.s32 $0x0, s20;
	[sflag:s22] =	ssyncset.done $0x0  }
0xa0: {  	[sflag:s22] =	ssyncadd.s32 s4;
	_ =	sdelay $0x1  }
0xa1: {  	s23 =	simm.s32 $0x1B8B  }
0xa2: {  	_ =	swait.ge [sflag:s23], $0x1  }
0xa3: {  	[sflag:s23] =	ssyncset.done $0x0  }
0xa4: {  	s25 =	simm.s32 $0x1B8E;
	s24 =	sld [smem:$0x3FFE];
	[sflag:s23] =	ssyncadd.s32 $0xFFFFFFFF  }
0xa5: {  	s26 =	simm.s32 $execute0_lowered;
	[smem:$0x3FD2] =	sst s25  }
0xa6: {  	s5 =	sshll.u32 s26, $0x1;
	_ =	strace $0x80000046;
	[dreg:$0x1] =	wrdreg $0xFFFFFFFF  }
0xa7: {  	s28 =	simm.s32 $_size_execute0_lowered;
	s3 =	sadd.s32 s3, s5;
	[dreg:$0x0] =	wrdreg $0x0  }
0xa8: {  	s5 =	sshll.u32 s28, $0x1;
	[dreg:$0x2] =	wrdreg s3  }
0xa9: {  	[dreg:$0x3] =	wrdreg s5  }
0xaa: {  	[dreg:$0x4] =	wrdreg $0xC0  }
0xab: {  	_ =	task [dreg:s7], $0x5FFFF  }
0xac: {  	[dreg:$0x1] =	wrdreg $0xFFFFFFFF  }
0xad: {  	[dreg:$0x0] =	wrdreg $0x60  }
0xae: {  	[dreg:$0x2] =	wrdreg s24  }
0xaf: {  	[dreg:$0x3] =	wrdreg s2  }
0xb0: {  	[dreg:$0x4] =	wrdreg $0x9  }
0xb1: {  	_ =	task.clear_ibuf [dreg:s7], $0x5FFFF;
	_ =	strace $0x90000046  }
0xb2: {  	s29 =	simm.s32 $0x9;
	_ =	strace $0x80000048  }
0xb3: {  	_ =	swait.ge [sflag:s29], $0x1  }
0xb4: {  	[sflag:s29] =	ssyncadd.s32 $0xFFFFFFFF  }
0xb5: {  	_ =	strace $0x90000048  }
0xb6: {  	_ =	sfence  }
0xb7: {  	s30 =	sld [smem:$0x0];
	_ =	sdelay $0x2  }
0xb8: {  	s31 =	sshll.u32 s1, $0xD;
	s1 =	sshrl.u32 s1, $0x2  }
0xb9: {  	s3 =	sand.u32 $0x4000, s31;
	s1 =	sadd.s32 s1, s30  }
0xba: {  	s0 =	sor.u32 s3, s0;
	s1 =	sshll.u32 s1, $0x11  }
0xbb: {  	s0 =	sor.u32 s1, s0  }
0xbc: {  	s0 =	sadd.s32 $0x8F2B, s0  }
0xbd: {  	[sflag:s0] =	ssyncadd.remote.s32 $0x1  }
0xbe: {  	_ =	sfence.sel $0xFFFF  }
0xbf: {  	[dreg:$0x0] =	wrdreg $0xFFFFFFFF;
	(pc) =	sbr.abs _section_cstart, $3  }
0xc0: {  	[dreg:$0x1] =	wrdreg $0xFFFFFFFF  }
0xc1: {  	_ =	task.clear_ibuf [dreg:s7], $0x2FFFF;
	_ =	strace $0x9FFFFFFF  }
0xc2: {  	(tm) =	ssettm $0x7FFFFFFF  }
0xc3: {  	_ =	shalt  }
tec
execute0_lowered:
.L_overlay_start_1:
0x0: {  	(tag) =	ssettag $0x1  }
0x1: {  	s0 =	srdreg.scid  }
0x2: {  	s4 =	stileid.u32;
	s1 =	rddreg [dreg:$0x0]  }
0x3: {  	s3 =	simm.s32 $0x0;
	s16 =	simm.s32 $0x80;
	s28 =	simm.s32 $0x3  }
0x4: {  	s29 =	simm.s32 $0x12400;
	s30 =	simm.s32 $0x4;
	s31 =	simm.s32 $0x14400  }
0x5: {  	s19 =	simm.s32 $0x8;
	s15 =	simm.s32 $0xC;
	s5 =	smul.u32 $0x320000, s4  }
0x6: {  	s0 =	sand.u32 $0x1, s0;
	s2 =	sshll.u32 s4, $0x1;
	s6 =	smul.u32 $0xC800, s4  }
0x7: {  	[smem:$0x7FF] =	sst s3;
	s4 =	sadd.s32 $0xF42E00, s1;
	s8 =	smul.u32 $0x6400, s0  }
0x8: {  	s2 =	sor.u32 s0, s2;
	s7 =	ssub.s32 $0x2, s0;
	s0 =	smul.u32 $0x190000, s0  }
0x9: {  	_ =	strace $0x80000047;
	s2 =	smul.u32 $0x6400, s2;
	s9 =	sshrl.u32 s7, $0x1  }
0xa: {  	s21 =	ssub.s32 s7, s9;
	s6 =	sadd.s32 s8, s6;
	s0 =	sadd.s32 s0, s5  }
0xb: {  	s7 =	simm.s32 $0x0;
	s2 =	sshrl.u32 s2, $0x3;
	s22 =	sshll.u32 s6, $0x3  }
0xc: {  	s23 =	sshrl.u32 s0, $0x3;
	s24 =	sor.u32 $0xE000, s0;
	s25 =	sor.u32 $0xC000, s0  }
0xd: {  	s26 =	sor.u32 $0xA000, s0;
	s0 =	sor.u32 $0x8000, s0;
	s2 =	sadd.s32 s2, s1  }
0xe: {  	s1 =	smax.u32 s21, $0x1;
	[dreg:$0x5] =	wrdreg s23;
	s8 =	sor.u32 $0xC00, s22  }
0xf: {  	s9 =	sor.u32 $0x800, s22;
	s10 =	sor.u32 $0x400, s22;
	s11 =	sshrl.u32 s24, $0x3  }
.Ltmp0:
0x10: {  	s12 =	sshrl.u32 s25, $0x3;
	s13 =	sshrl.u32 s26, $0x3;
	(pc) =	sbr.rel .LBB2_1-.Ltmp0, $4  }
0x11: {  	s14 =	sshrl.u32 s0, $0x3;
	s22 =	simm.s32 $0xC400;
	s23 =	simm.s32 $0x1  }
0x12: {  	s24 =	simm.s32 $0xE400;
	s25 =	simm.s32 $0x2;
	s26 =	simm.s32 $0x10400  }
0x13: {  	s0 =	simm.s32 $0x6;
	s2 =	sadd.s32 $0xA00, s2;
	[dreg:$0x4] =	wrdreg s1  }
0x14: {  	s1 =	simm.s32 $0x5;
	[dreg:$0x3] =	wrdreg s2;
	s2 =	simm.s32 $0x7  }
.LBB2_4:
0x15: {  	s5 =	simm.s32 $0x9  }
0x16: {  	_ =	swait.ge [sflag:s5], $0x2000  }
0x17: {  	[sflag:s5] =	ssyncset.done $0x0  }
0x18: {  	s6 =	simm.s32 $0xA;
	[sflag:s5] =	ssyncadd.s32 $0xFFFFE000  }
0x19: {  	_ =	swait.ge [sflag:s6], $0x2000  }
0x1a: {  	[sflag:s6] =	ssyncset.done $0x0  }
0x1b: {  	s7 =	simm.s32 $0xB;
	[sflag:s6] =	ssyncadd.s32 $0xFFFFE000  }
0x1c: {  	_ =	swait.ge [sflag:s7], $0x2000  }
0x1d: {  	[sflag:s7] =	ssyncset.done $0x0  }
0x1e: {  	[sflag:s7] =	ssyncadd.s32 $0xFFFFE000  }
0x1f: {  	_ =	swait.ge [sflag:s15], $0x2000  }
0x20: {  	[sflag:s15] =	ssyncset.done $0x0  }
0x21: {  	s17 =	simm.s32 $0xD;
	[sflag:s15] =	ssyncadd.s32 $0xFFFFE000  }
0x22: {  	_ =	swait.ge [sflag:s17], $0x2000  }
0x23: {  	[sflag:s17] =	ssyncset.done $0x0  }
0x24: {  	s18 =	simm.s32 $0xE;
	[sflag:s17] =	ssyncadd.s32 $0xFFFFE000  }
0x25: {  	_ =	swait.ge [sflag:s18], $0x2000  }
0x26: {  	[sflag:s18] =	ssyncset.done $0x0  }
0x27: {  	s20 =	simm.s32 $0xF;
	[sflag:s18] =	ssyncadd.s32 $0xFFFFE000  }
0x28: {  	_ =	swait.ge [sflag:s20], $0x2000  }
0x29: {  	[sflag:s20] =	ssyncset.done $0x0  }
0x2a: {  	s6 =	simm.s32 $0x10;
	[sflag:s20] =	ssyncadd.s32 $0xFFFFE000  }
0x2b: {  	_ =	swait.ge [sflag:s6], $0x2000  }
0x2c: {  	s7 =	rddreg [dreg:$0x6]  }
0x2d: {  	s21 =	rddreg [dreg:$0x4];
	s7 =	sadd.s32 $0x1, s7  }
0x2e: {  	p0 =	sne.s32 s7, s21  }
.Ltmp1:
0x2f: {  	_ = 	snop;
	(pc) =	sbr.rel @!p0 .LBB2_5-.Ltmp1, $3  }
0x30: {  	_ =	sdelay $0x1  }
0x31: {  	[sflag:s6] =	ssyncset.done $0x0  }
0x32: {  	[sflag:s6] =	ssyncadd.s32 $0xFFFFE000  }
.LBB2_1:
0x33: {  	[dreg:$0x6] =	wrdreg s7  }
0x34: {  	s5 =	rddreg [dreg:$0x3];
	s7 =	simm.s32 $0x11  }
0x35: {  	[tilespmem:s3], [sflag:$0x11] =	stream.linear.gather [hbm4b:s5+s3], $0x6400, $0x38;
	[tilespmem:$0x16400] =	vst v63  }
0x36: {  	_ =	swait.ge [sflag:s7], $0x6400  }
0x37: {  	[sflag:s7] =	ssyncset.done $0x0  }
0x38: {  	s17 =	simm.s32 $0x6400;
	[sflag:s7] =	ssyncadd.s32 $0xFFFF9C00  }
0x39: {  	[tilespmem:s17], [sflag:$0x1] =	stream.indirect.gather [hbm4b:s4+s16], $0x40, s3, s16, $0xb8;
	[tilespmem:$0x16400] =	vst v63  }
0x3a: {  	s18 =	simm.s32 $0x8400  }
0x3b: {  	[tilespmem:s18], [sflag:$0x2] =	stream.indirect.gather [hbm4b:s4+s16], $0x40, s16, s16, $0xb8;
	[tilespmem:$0x16400] =	vst v63  }
0x3c: {  	s20 =	simm.s32 $0x100;
	s6 =	simm.s32 $0xA400  }
0x3d: {  	[tilespmem:s6], [sflag:$0x3] =	stream.indirect.gather [hbm4b:s4+s16], $0x40, s20, s16, $0xb8;
	[tilespmem:$0x16400] =	vst v63  }
0x3e: {  	s21 =	simm.s32 $0x180  }
0x3f: {  	[tilespmem:s22], [sflag:$0x4] =	stream.indirect.gather [hbm4b:s4+s16], $0x40, s21, s16, $0xb8;
	[tilespmem:$0x16400] =	vst v63  }
0x40: {  	s6 =	rddreg [dreg:$0x1];
	s21 =	simm.s32 $0x0  }
.LBB2_2:
0x41: {  	_ =	swait.ge [sflag:s23], $0x2000;
	s7 =	simm.s32 $0x6400  }
0x42: {  	p0 =	seq.s32 s21, $0x0;
	[sflag:s23] =	ssyncset.done $0x0;
	s5 =	rddreg [dreg:$0x5]  }
0x43: {  	s17 =	simm.s32 @!p0 $0xD;
	[sflag:s23] =	ssyncadd.s32 $0xFFFFE000;
	s5 =	sadd.s32 s6, s5  }
0x44: {  	[hbm4b:s5+s3] =	stream.linear.scatter [tilespmem:s7], [sflag:$0x9], $0x2000, $0x38;
	[tilespmem:$0x16400] =	vst v63  }
0x45: {  	_ =	swait.ge @!p0 [sflag:s17], $0x2000  }
0x46: {  	s5 =	sshra.s32 s21, $0x2;
	[sflag:s17] =	ssyncset.done @!p0 $0x0  }
0x47: {  	s7 =	sadd.s32 $0x200, s5;
	[sflag:s17] =	ssyncadd.s32 @!p0 $0xFFFFE000  }
0x48: {  	[tilespmem:s24], [sflag:$0x5] =	stream.indirect.gather [hbm4b:s4+s16], $0x40, s7, s16, $0xb8;
	[tilespmem:$0x16400] =	vst v63  }
0x49: {  	_ =	swait.ge [sflag:s25], $0x2000  }
0x4a: {  	s18 =	sadd.s32 s6, s10;
	[sflag:s25] =	ssyncset.done $0x0  }
0x4b: {  	s20 =	simm.s32 $0x8400;
	s17 =	simm.s32 @!p0 $0xE;
	[sflag:s25] =	ssyncadd.s32 $0xFFFFE000  }
0x4c: {  	[hbm4b:s18+s3] =	stream.linear.scatter [tilespmem:s20], [sflag:$0xA], $0x2000, $0x38;
	[tilespmem:$0x16400] =	vst v63  }
0x4d: {  	_ =	swait.ge @!p0 [sflag:s17], $0x2000  }
0x4e: {  	[sflag:s17] =	ssyncset.done @!p0 $0x0  }
0x4f: {  	s7 =	sadd.s32 $0x280, s5;
	[sflag:s17] =	ssyncadd.s32 @!p0 $0xFFFFE000  }
0x50: {  	[tilespmem:s26], [sflag:$0x6] =	stream.indirect.gather [hbm4b:s4+s16], $0x40, s7, s16, $0xb8;
	[tilespmem:$0x16400] =	vst v63  }
0x51: {  	_ =	swait.ge [sflag:s28], $0x2000  }
0x52: {  	s18 =	sadd.s32 s6, s9;
	[sflag:s28] =	ssyncset.done $0x0  }
0x53: {  	s20 =	simm.s32 $0xA400;
	s17 =	simm.s32 @!p0 $0xF;
	[sflag:s28] =	ssyncadd.s32 $0xFFFFE000  }
0x54: {  	[hbm4b:s18+s3] =	stream.linear.scatter [tilespmem:s20], [sflag:$0xB], $0x2000, $0x38;
	[tilespmem:$0x16400] =	vst v63  }
0x55: {  	_ =	swait.ge @!p0 [sflag:s17], $0x2000  }
0x56: {  	[sflag:s17] =	ssyncset.done @!p0 $0x0  }
0x57: {  	s7 =	sadd.s32 $0x300, s5;
	[sflag:s17] =	ssyncadd.s32 @!p0 $0xFFFFE000  }
0x58: {  	[tilespmem:s29], [sflag:$0x7] =	stream.indirect.gather [hbm4b:s4+s16], $0x40, s7, s16, $0xb8;
	[tilespmem:$0x16400] =	vst v63  }
0x59: {  	_ =	swait.ge [sflag:s30], $0x2000  }
0x5a: {  	[sflag:s30] =	ssyncset.done $0x0  }
0x5b: {  	s18 =	sadd.s32 s6, s8;
	s17 =	simm.s32 @!p0 $0x10;
	[sflag:s30] =	ssyncadd.s32 $0xFFFFE000  }
0x5c: {  	[hbm4b:s18+s3] =	stream.linear.scatter [tilespmem:s22], [sflag:$0xC], $0x2000, $0x38;
	[tilespmem:$0x16400] =	vst v63  }
0x5d: {  	_ =	swait.ge @!p0 [sflag:s17], $0x2000  }
0x5e: {  	[sflag:s17] =	ssyncset.done @!p0 $0x0  }
0x5f: {  	s20 =	sadd.s32 $0x380, s5;
	[sflag:s17] =	ssyncadd.s32 @!p0 $0xFFFFE000  }
0x60: {  	[tilespmem:s31], [sflag:$0x8] =	stream.indirect.gather [hbm4b:s4+s16], $0x40, s20, s16, $0xb8;
	[tilespmem:$0x16400] =	vst v63  }
0x61: {  	_ =	swait.ge [sflag:s1], $0x2000  }
0x62: {  	p0 =	seq.s32 s21, $0x18000;
	[sflag:s1] =	ssyncset.done $0x0  }
0x63: {  	s7 =	sadd.s32 s6, s14;
	s17 =	simm.s32 @!p0 $0x9;
	[sflag:s1] =	ssyncadd.s32 $0xFFFFE000  }
0x64: {  	[hbm4b:s7+s3] =	stream.linear.scatter [tilespmem:s24], [sflag:$0xD], $0x2000, $0x38;
	[tilespmem:$0x16400] =	vst v63  }
0x65: {  	_ =	swait.ge @!p0 [sflag:s17], $0x2000  }
0x66: {  	[sflag:s17] =	ssyncset.done @!p0 $0x0  }
0x67: {  	[sflag:s17] =	ssyncadd.s32 @!p0 $0xFFFFE000;
	s17 =	sshra.s32 @!p0 s21, $0x2  }
0x68: {  	s20 =	simm.s32 @!p0 $0x80;
	s7 =	simm.s32 @!p0 $0x6400;
	s18 =	sadd.s32 @!p0 $0x400, s17  }
0x69: {  	[tilespmem:s7], [sflag:$0x1] =	stream.indirect.gather @!p0 [hbm4b:s4+s20], $0x40, s18, s20, $0xb8;
	[tilespmem:$0x16400] =	vst v63  }
0x6a: {  	_ =	swait.ge [sflag:s0], $0x2000  }
0x6b: {  	[sflag:s0] =	ssyncset.done $0x0  }
0x6c: {  	s18 =	sadd.s32 s6, s13;
	s7 =	simm.s32 @!p0 $0xA;
	[sflag:s0] =	ssyncadd.s32 $0xFFFFE000  }
0x6d: {  	[hbm4b:s18+s3] =	stream.linear.scatter [tilespmem:s26], [sflag:$0xE], $0x2000, $0x38;
	[tilespmem:$0x16400] =	vst v63  }
0x6e: {  	_ =	swait.ge @!p0 [sflag:s7], $0x2000  }
0x6f: {  	[sflag:s7] =	ssyncset.done @!p0 $0x0  }
0x70: {  	s18 =	simm.s32 @!p0 $0x8400;
	[sflag:s7] =	ssyncadd.s32 @!p0 $0xFFFFE000;
	s7 =	sadd.s32 @!p0 $0x480, s17  }
0x71: {  	[tilespmem:s18], [sflag:$0x2] =	stream.indirect.gather @!p0 [hbm4b:s4+s20], $0x40, s7, s20, $0xb8;
	[tilespmem:$0x16400] =	vst v63  }
0x72: {  	_ =	swait.ge [sflag:s2], $0x2000  }
0x73: {  	[sflag:s2] =	ssyncset.done $0x0  }
0x74: {  	s18 =	sadd.s32 s6, s12;
	s7 =	simm.s32 @!p0 $0xB;
	[sflag:s2] =	ssyncadd.s32 $0xFFFFE000  }
0x75: {  	[hbm4b:s18+s3] =	stream.linear.scatter [tilespmem:s29], [sflag:$0xF], $0x2000, $0x38;
	[tilespmem:$0x16400] =	vst v63  }
0x76: {  	_ =	swait.ge @!p0 [sflag:s7], $0x2000  }
0x77: {  	[sflag:s7] =	ssyncset.done @!p0 $0x0  }
0x78: {  	[sflag:s7] =	ssyncadd.s32 @!p0 $0xFFFFE000;
	s7 =	sadd.s32 @!p0 $0x500, s17;
	s17 =	simm.s32 @!p0 $0xA400  }
0x79: {  	[tilespmem:s17], [sflag:$0x3] =	stream.indirect.gather @!p0 [hbm4b:s4+s20], $0x40, s7, s20, $0xb8;
	[tilespmem:$0x16400] =	vst v63  }
.Ltmp2:
0x7a: {  	_ = 	snop;
	(pc) =	sbr.rel @p0 .LBB2_4-.Ltmp2, $4  }
0x7b: {  	_ =	swait.ge [sflag:s19], $0x2000  }
0x7c: {  	[sflag:s19] =	ssyncset.done $0x0  }
0x7d: {  	s20 =	sadd.s32 s6, s11;
	[sflag:s19] =	ssyncadd.s32 $0xFFFFE000  }
0x7e: {  	[hbm4b:s20+s3] =	stream.linear.scatter [tilespmem:s31], [sflag:$0x10], $0x2000, $0x38;
	[tilespmem:$0x16400] =	vst v63  }
.Ltmp3:
0x7f: {  	(pc) =	sbr.rel .LBB2_2-.Ltmp3, $4  }
0x80: {  	_ =	swait.ge [sflag:s15], $0x2000  }
0x81: {  	s5 =	sadd.s32 $0x580, s5;
	[sflag:s15] =	ssyncset.done $0x0  }
0x82: {  	s21 =	sadd.s32 $0x1000, s21;
	s6 =	sadd.s32 $0x2000, s6;
	[sflag:s15] =	ssyncadd.s32 $0xFFFFE000  }
0x83: {  	[tilespmem:s22], [sflag:$0x4] =	stream.indirect.gather [hbm4b:s4+s16], $0x40, s5, s16, $0xb8;
	[tilespmem:$0x16400] =	vst v63  }
.LBB2_5:
0x84: {  	_ =	sfence.sel $0x180000  }
0x85: {  	[bflag:$0x0] =	sbarrier.arrive $0xFFFF  }
0x86: {  	_ =	strace $0x90000047  }
0x87: {  	s0 =	stileid.u32;
	[bflag:$0x2] =	sbarrier.arrive $0xFFFF  }
0x88: {  	p0 =	sne.s32 s0, $0x0;
	s0 =	rddreg [dreg:$0x2]  }
0x89: {  	s0 =	sadd.s32 @!p0 $0x100000, s0  }
0x8a: {  	[sflag:s0] =	ssyncadd.tile.s32 @!p0 $0x1;
	_ =	shalt  }
.Lfunc_end2:
_tile_overlayer_lowered:
.L_overlay_start_2:
0x8b: {  	(tag) =	ssettag $0x2  }
0x8c: {  	s0 =	rddreg [dreg:$0x0];
	s2 =	stileid.u32  }
0x8d: {  	s1 =	rddreg [dreg:$0x1];
	p0 =	sne.s32 s2, $0x0  }
0x8e: {  	s3 =	rddreg [dreg:$0x2];
	[bflag:$0x3] =	sbarrier.arrive $0xFFFF;
	s2 =	simm.s32 @!p0 $0x1C11  }
0x8f: {  	[timem:s3], [sflag:s2] =	dma.local @!p0 [hbm:s0], s1  }
0x90: {  	s0 =	simm.s32 @!p0 $0x11  }
0x91: {  	_ =	swait.ge @!p0 [sflag:s0], s1  }
0x92: {  	s1 =	ssub.s32 @!p0 $0x0, s1;
	[sflag:s0] =	ssyncset.done @!p0 $0x0  }
0x93: {  	[sflag:s0] =	ssyncadd.s32 @!p0 s1  }
0x94: {  	[bflag:$0x3] =	sbarrier.arrive $0xFFFF  }
0x95: {  	_ =	shalt  }

// kernel: sparse-core-data-format-call.cloned.1.call-start
scs
called_computation_lowered:
.L_overlay_start_0:
0x0: {  	s2 =	sld [smem:$0x3FD9]  }
0x1: {  	s3 =	sld [smem:$0x3FFE];
	_ =	sdelay $0x1  }
0x2: {  	s1 =	srdreg.scid  }
0x3: {  	s0 =	sand.u32 $0x1, s1  }
0x4: {  	s18 =	sshll.u32 s0, $0xA;
	s2 =	sadd.s32 s3, s2  }
0x5: {  	s2 =	sadd.s32 s2, s18  }
0x6: {  	[smem:$0x3FC6] =	sst s2  }
0x7: {  	_ = 	snop  }
0x8: {  	s2 =	sld [smem:$0x3FD0];
	(tm) =	ssettm $0x1  }
0x9: {  	s19 =	sld [smem:$0x3FFB];
	_ =	sdelay $0x3  }
0xa: {  	_ =	strace s19  }
0xb: {  	s3 =	sld [smem:$0x3FFC];
	_ =	sdelay $0x3  }
0xc: {  	_ =	strace s3  }
0xd: {  	s3 =	sld [smem:$0x3FFD];
	_ =	sdelay $0x3  }
0xe: {  	_ =	strace s3  }
0xf: {  	_ =	strace $0x8FFFFFFF  }
0x10: {  	s20 =	sld [smem:$0x3FDB];
	_ =	sdelay $0x1  }
0x11: {  	s4 =	simm.s32 $_scs_section_size  }
0x12: {  	s5 =	simm.s32 $_size__tile_overlayer_lowered;
	s6 =	simm.s32 $_tile_overlayer_lowered  }
0x13: {  	s23 =	simm.s32 $0x1BFF;
	s22 =	sshll.u32 s6, $0x1;
	s3 =	sadd.s32 s4, s20  }
0x14: {  	s7 =	simm.s32 $0x0;
	s21 =	sshll.u32 s5, $0x1;
	s5 =	sadd.s32 s22, s3  }
0x15: {  	[timem:s7], [sflag:s23] =	dma.local [hbm:s5], s21  }
0x16: {  	_ =	swait.ge [sflag:s23], s21  }
0x17: {  	s4 =	ssub.s32 $0x0, s21;
	[sflag:s23] =	ssyncset.done $0x0  }
0x18: {  	[sflag:s23] =	ssyncadd.s32 s4;
	_ =	sdelay $0x1  }
0x19: {  	s24 =	simm.s32 $0x1B8B  }
0x1a: {  	_ =	swait.ge [sflag:s24], $0x1  }
0x1b: {  	[sflag:s24] =	ssyncset.done $0x0  }
0x1c: {  	s26 =	simm.s32 $0x1B8E;
	s25 =	sld [smem:$0x3FFE];
	[sflag:s24] =	ssyncadd.s32 $0xFFFFFFFF  }
0x1d: {  	s27 =	simm.s32 $execute0_lowered;
	[smem:$0x3FD2] =	sst s26  }
0x1e: {  	s5 =	sshll.u32 s27, $0x1;
	_ =	strace $0x80000049;
	[dreg:$0x1] =	wrdreg $0xFFFFFFFF  }
0x1f: {  	s28 =	simm.s32 $_size_execute0_lowered;
	s3 =	sadd.s32 s3, s5;
	[dreg:$0x0] =	wrdreg $0x0  }
0x20: {  	s5 =	sshll.u32 s28, $0x1;
	[dreg:$0x2] =	wrdreg s3  }
0x21: {  	[dreg:$0x3] =	wrdreg s5  }
0x22: {  	[dreg:$0x4] =	wrdreg $0xC0  }
0x23: {  	_ =	task [dreg:s7], $0x5FFFF  }
0x24: {  	[dreg:$0x1] =	wrdreg $0xFFFFFFFF  }
0x25: {  	[dreg:$0x0] =	wrdreg $0x60  }
0x26: {  	[dreg:$0x2] =	wrdreg s25  }
0x27: {  	[dreg:$0x3] =	wrdreg s2  }
0x28: {  	[dreg:$0x4] =	wrdreg $0x9  }
0x29: {  	_ =	task.clear_ibuf [dreg:s7], $0x5FFFF;
	_ =	strace $0x90000049  }
0x2a: {  	s29 =	simm.s32 $0x9;
	_ =	strace $0x8000004B  }
0x2b: {  	_ =	swait.ge [sflag:s29], $0x1  }
0x2c: {  	[sflag:s29] =	ssyncadd.s32 $0xFFFFFFFF  }
0x2d: {  	_ =	strace $0x9000004B  }
0x2e: {  	_ =	sfence  }
0x2f: {  	s30 =	sld [smem:$0x0];
	_ =	sdelay $0x2  }
0x30: {  	s31 =	sshll.u32 s1, $0xD;
	s1 =	sshrl.u32 s1, $0x2  }
0x31: {  	s3 =	sand.u32 $0x4000, s31;
	s1 =	sadd.s32 s1, s30  }
0x32: {  	s0 =	sor.u32 s3, s0;
	s1 =	sshll.u32 s1, $0x11  }
0x33: {  	s0 =	sor.u32 s1, s0  }
0x34: {  	s0 =	sadd.s32 $0x8F2B, s0  }
0x35: {  	[sflag:s0] =	ssyncadd.remote.s32 $0x1  }
0x36: {  	_ =	sfence.sel $0xFFFF  }
0x37: {  	[dreg:$0x0] =	wrdreg $0xFFFFFFFF;
	(pc) =	sbr.abs _section_cstart, $3  }
0x38: {  	[dreg:$0x1] =	wrdreg $0xFFFFFFFF  }
0x39: {  	_ =	task.clear_ibuf [dreg:s7], $0x2FFFF;
	_ =	strace $0x9FFFFFFF  }
0x3a: {  	(tm) =	ssettm $0x7FFFFFFF  }
0x3b: {  	_ =	shalt  }
tec
execute0_lowered:
.L_overlay_start_1:
0x0: {  	(tag) =	ssettag $0x1  }
0x1: {  	s0 =	srdreg.scid  }
0x2: {  	s1 =	sshll.u32 s0, $0x4  }
0x3: {  	s0 =	stileid.u32;
	s1 =	sand.u32 $0x10, s1  }
0x4: {  	s1 =	sor.u32 s0, s1  }
0x5: {  	s6 =	rddreg [dreg:$0x0];
	s4 =	simm.s32 $0x1;
	s2 =	sshll.u32 s1, $0x7  }
0x6: {  	s7 =	simm.s32 $0x2;
	s12 =	simm.s32 $0x0;
	s1 =	ssub.s32 $0x1000, s2  }
0x7: {  	s8 =	simm.s32 $0x8000;
	s13 =	simm.s32 $0x0;
	s3 =	sand.u32 $0xF80, s1  }
0x8: {  	s9 =	simm.s32 $0x0;
	s5 =	sshrl.u32 s1, $0xC;
	p0 =	sne.s32 s3, $0x0  }
.Ltmp0:
0x9: {  	s1 =	rddreg [dreg:$0x2];
	s4 =	simm.s32 @!p0 $0x0;
	(pc) =	sbr.rel .LBB1_1-.Ltmp0, $4  }
0xa: {  	s11 =	simm.s32 $0x0;
	s3 =	rddreg [dreg:$0x1];
	s5 =	sadd.s32 s4, s5  }
0xb: {  	_ =	strace $0x8000004A;
	s4 =	simm.s32 $0x1;
	s5 =	smul.u32 $0xC8, s5  }
0xc: {  	s6 =	sadd.s32 $0xA00, s6;
	s10 =	smov.u32 s2;
	[sflag:s4] =	ssyncpa.u1 $0x0  }
0xd: {  	p0 =	por $0x0, $0x0;
	[sflag:s7] =	ssyncpa.u1 $0x0;
	s7 =	sor.u32 $0x1, s5  }
.LBB1_4:
0xe: {  	s16 =	sshll.u32 s13, $0x3;
	s17 =	sand.u32 $0x78, s13  }
0xf: {  	s30 =	sand.u32 $0x7E00, s13;
	s12 =	sshll.u32 s12, $0xF;
	s16 =	sand.u32 $0xC00, s16  }
0x10: {  	[tilespmem:s15+$0x810 ss:$0x81] =	vst.msk $0xffff, v2;
	s31 =	sand.u32 $0x7, s13;
	s16 =	sor.u32 s17, s16;
	s17 =	sadd.s32 s3, s30  }
0x11: {  	[tilespmem:s15+$0x1020 ss:$0x81] =	vst.msk $0xffff, v0;
	s13 =	sshll.u32 s31, $0x12;
	s12 =	sadd.s32 s12, s17;
	s16 =	sshrl.u32 s16, $0x3  }
0x12: {  	[tilespmem:s15+$0x0 ss:$0x81] =	vst.msk $0xffff, v1;
	s13 =	sor.u32 $0x400, s13;
	s12 =	sadd.s32 s16, s12  }
0x13: {  	[hbm4b:s12+s13] =	stream.strided.scatter [tilespmem:s14], [sflag:$0x2], $0x2000, s8, s13, $0x20;
	[tilespmem:$0x8080] =	vst v63  }
.LBB1_5:
0x14: {  	s14 =	sadd.s32 $0x1, s9  }
0x15: {  	s12 =	sadd.s32 $0x1000, s10;
	s16 =	smov.u32 s10;
	p2 =	sgt.s32 s14, $0xC7  }
0x16: {  	s16 =	smov.u32 @p2 s12  }
0x17: {  	s14 =	simm.s32 @p2 $0x0;
	p2 =	sgt.s32 s16, $0xFFF  }
0x18: {  	s16 =	smov.u32 @p2 s2;
	p2 =	sne.s32 s11, s7  }
.Ltmp1:
0x19: {  	p1 =	slt.u32 s11, $0x2;
	(pc) =	sbr.rel @!p2 .LBB1_6-.Ltmp1, $4  }
0x1a: {  	s15 =	simm.s32 @!p1 $0x2  }
0x1b: {  	s13 =	smov.u32 s10;
	p0 =	por !p0, !p0;
	_ =	swait.ge @!p1 [sflag:s15], $0x2000  }
0x1c: {  	s12 =	smov.u32 s9;
	[sflag:s15] =	ssyncset.done @!p1 $0x0;
	s9 =	smov.u32 s14  }
0x1d: {  	s11 =	sadd.s32 $0x1, s11;
	[sflag:s15] =	ssyncadd.s32 @!p1 $0xFFFFE000;
	s10 =	smov.u32 s16  }
.LBB1_1:
0x1e: {  	p1 =	sge.u32 s11, s5  }
0x1f: {  	s14 =	sand.u32 @!p1 $0x1FFFFFF, s9  }
0x20: {  	s15 =	smulhi.u32 @!p1 $0x147AE15, s14;
	_ =	sdelay $0x1  }
0x21: {  	s15 =	smul.u32 @!p1 $0xC8, s15  }
0x22: {  	s16 =	sxor.u32 @!p1 $0xFFFFFFFF, s11;
	s17 =	smul.u32 @!p1 $0xC80, s10  }
0x23: {  	s31 =	sadd.s32 $0xFFFFFFFF, s11;
	s16 =	sshll.u32 @!p1 s16, $0xD;
	s14 =	ssub.s32 @!p1 s14, s15  }
0x24: {  	s15 =	sand.u32 @!p1 $0x2000, s16;
	s16 =	sadd.s32 @!p1 s6, s17;
	s14 =	sshll.u32 @!p1 s14, $0x4  }
0x25: {  	s17 =	simm.s32 @!p1 $0x6400;
	s14 =	sadd.s32 @!p1 s14, s16;
	s16 =	simm.s32 @!p1 $0x40  }
0x26: {  	[tilespmem:s15], [sflag:$0x1] =	stream.strided.gather @!p1 [hbm4b:s14+s16], $0x2000, s17, s16, $0x38;
	[tilespmem:$0x8080] =	vst v63  }
0x27: {  	p1 =	sge.u32 s31, s5  }
.Ltmp2:
0x28: {  	_ = 	snop;
	(pc) =	sbr.rel @p1 .LBB1_5-.Ltmp2, $1  }
0x29: {  	_ =	sdelay $0x3  }
0x2a: {  	s14 =	simm.s32 $0x1  }
0x2b: {  	_ =	swait.ge [sflag:s4], $0x2000;
	s14 =	simm.s32 @!p0 $0x0  }
0x2c: {  	[sflag:s4] =	ssyncset.done $0x0;
	s15 =	sshll.u32 s14, $0xD  }
0x2d: {  	[sflag:s4] =	ssyncadd.s32 $0xFFFFE000;
	s18 =	sor.u32 $0x20, s15  }
0x2e: {  	s14 =	smul.u32 $0x8100, s14;
	v3 =	vld [tilespmem:s18+$0x10]  }
0x2f: {  	s30 =	sand.u32 $0x1, s11;
	v2 =	vld [tilespmem:s18+$0xFFFFFFF0]  }
0x30: {  	s15 =	smul.u32 $0x8100, s30;
	s14 =	sshrl.u32 s14, $0x2;
	v0 =	vld [tilespmem:s18+$0x0]  }
0x31: {  	v1 =	vld [tilespmem:s18+$0xFFFFFFE0];
	s16 =	sor.u32 $0x4000, s14  }
0x32: {  	s31 =	sshrl.u32 s15, $0x2;
	s15 =	sadd.s32 $0x0, s16  }
0x33: {  	s17 =	simm.s32 $0x4;
	s18 =	sadd.s32 $0x40, s18;
	s14 =	sor.u32 $0x4000, s31;
	[tilespmem:s15+$0x1830 ss:$0x81] =	vst.msk $0xffff, v3  }
.LBB1_3:
0x34: {  	v3 =	vld [tilespmem:s18+$0x10];
	p1 =	sne.s32 s17, $0x1FC;
	[tilespmem:s15+$0x810 ss:$0x81] =	vst.msk $0xffff, v2;
	s19 =	smov.u32 s17;
	s17 =	sadd.s32 $0x4, s17  }
.Ltmp3:
0x35: {  	v2 =	vld [tilespmem:s18+$0xFFFFFFF0];
	[tilespmem:s15+$0x1020 ss:$0x81] =	vst.msk $0xffff, v0;
	(pc) =	sbr.rel @p1 .LBB1_3-.Ltmp3, $4  }
0x36: {  	v0 =	vld [tilespmem:s18+$0x0];
	[tilespmem:s15+$0x0 ss:$0x81] =	vst.msk $0xffff, v1  }
0x37: {  	s15 =	sshra.s32 s19, $0x2;
	v1 =	vld [tilespmem:s18+$0xFFFFFFE0]  }
0x38: {  	s15 =	sadd.s32 s15, s16  }
0x39: {  	s18 =	sadd.s32 $0x40, s18;
	[tilespmem:s15+$0x1830 ss:$0x81] =	vst.msk $0xffff, v3  }
.Ltmp4:
0x3a: {  	_ = 	snop;
	(pc) =	sbr.rel .LBB1_4-.Ltmp4, $1  }
0x3b: {  	_ =	sdelay $0x3  }
.LBB1_6:
0x3c: {  	_ =	sfence.sel $0x180000  }
0x3d: {  	s2 =	simm.s32 $0x1;
	[bflag:$0x0] =	sbarrier.arrive $0xFFFF  }
0x3e: {  	s31 =	simm.s32 $0x2;
	[sflag:s2] =	ssyncpa.u1 $0x1  }
0x3f: {  	[sflag:s31] =	ssyncpa.u1 $0x1  }
0x40: {  	p0 =	sne.s32 s0, $0x0;
	_ =	strace $0x9000004A  }
0x41: {  	s0 =	sadd.s32 @!p0 $0x100000, s1;
	[bflag:$0x2] =	sbarrier.arrive $0xFFFF  }
0x42: {  	[sflag:s0] =	ssyncadd.tile.s32 @!p0 $0x1;
	_ =	shalt  }
.Lfunc_end1:
_tile_overlayer_lowered:
.L_overlay_start_2:
0x43: {  	(tag) =	ssettag $0x2  }
0x44: {  	s0 =	rddreg [dreg:$0x0];
	s2 =	stileid.u32  }
0x45: {  	s1 =	rddreg [dreg:$0x1];
	p0 =	sne.s32 s2, $0x0  }
0x46: {  	s3 =	rddreg [dreg:$0x2];
	[bflag:$0x3] =	sbarrier.arrive $0xFFFF;
	s2 =	simm.s32 @!p0 $0x1C01  }
0x47: {  	[timem:s3], [sflag:s2] =	dma.local @!p0 [hbm:s0], s1  }
0x48: {  	s0 =	simm.s32 @!p0 $0x1  }
0x49: {  	_ =	swait.ge @!p0 [sflag:s0], s1  }
0x4a: {  	s1 =	ssub.s32 @!p0 $0x0, s1;
	[sflag:s0] =	ssyncset.done @!p0 $0x0  }
0x4b: {  	[sflag:s0] =	ssyncadd.s32 @!p0 s1  }
0x4c: {  	[bflag:$0x3] =	sbarrier.arrive $0xFFFF  }
0x4d: {  	_ =	shalt  }

</sc_bundles>
